<compile_context>
chip_gen: v7x
topology: tpu7x:2x2x1
jax: 0.10.2.dev20260603
libtpu: 0.0.44.dev20260713+nightly
codegen_flags: <defaults>
</compile_context>

<pallas_src>
import functools

import jax
import jax.numpy as jnp
from jax import lax
from jax.experimental import pallas as pl
from jax.experimental.pallas import tpu as pltpu
from jax.experimental.pallas import tpu_sc as plsc

N = 262144
D = 64
K = 512
COMMITMENT_COST = 0.25
EPS = 1e-12

B = 2048
NB = N // B

_SC_INFO = plsc.get_sparse_core_info()
NC = _SC_INFO.num_cores
NS = _SC_INFO.num_subcores
NW = NC * NS
BPW = N // NW
C = 1024
NCHUNK = BPW // C


def _vq_body(xt_ref, cb_ref, cbn_out_ref, idx_ref, loss_ref, cbn_ref):
    step = pl.program_id(0)

    @pl.when(step == 0)
    def _():
        cb = cb_ref[...]
        cb_n = jnp.sqrt(jnp.sum(cb * cb, axis=1, keepdims=True))
        cbn = cb / jnp.maximum(cb_n, EPS)
        cbn_ref[...] = cbn
        cbn_out_ref[...] = cbn
        loss_ref[0, 0] = 0.0

    xt = xt_ref[...]
    norm = jnp.sqrt(jnp.sum(xt * xt, axis=0, keepdims=True))
    xnt = xt / jnp.maximum(norm, EPS)
    xsq = jnp.sum(xnt * xnt, axis=0, keepdims=True)

    g = lax.dot_general(
        cbn_ref[...], xnt, (((1,), (0,)), ((), ())),
        preferred_element_type=jnp.float32)
    gmax = jnp.max(g, axis=0, keepdims=True)
    row = lax.broadcasted_iota(jnp.int32, (K, B), 0)
    idx = jnp.min(jnp.where(g == gmax, row, K), axis=0)
    idx_ref[0, 0, :] = idx

    loss_ref[0, 0] += jnp.sum(xsq) + float(B) - 2.0 * jnp.sum(gmax)


_sc_mesh = plsc.VectorSubcoreMesh(core_axis_name="c", subcore_axis_name="s")


@functools.partial(
    pl.kernel,
    mesh=_sc_mesh,
    out_type=jax.ShapeDtypeStruct((N, D), jnp.float32),
    compiler_params=pltpu.CompilerParams(use_tc_tiling_on_sc=False),
    scratch_types=[
        pltpu.VMEM((C,), jnp.int32),
        pltpu.VMEM((C, D), jnp.float32),
        pltpu.SemaphoreType.DMA,
    ],
)
def _sc_gather(cbn_hbm, idx_hbm, out_hbm, idx_v, rows_v, sem):
    wid = lax.axis_index("s") * NC + lax.axis_index("c")
    base0 = wid * BPW
    for c in range(NCHUNK):
        base = base0 + c * C
        pltpu.sync_copy(idx_hbm.at[pl.ds(base, C)], idx_v)
        pltpu.async_copy(cbn_hbm.at[idx_v], rows_v, sem).wait()
        pltpu.sync_copy(rows_v, out_hbm.at[pl.ds(base, C)])


@jax.jit
def kernel(x, codebook):
    cbn, idx3, loss_sum = pl.pallas_call(
        _vq_body,
        grid=(NB,),
        in_specs=[
            pl.BlockSpec((D, B), lambda i: (0, i)),
            pl.BlockSpec((K, D), lambda i: (0, 0)),
        ],
        out_specs=[
            pl.BlockSpec((K, D), lambda i: (0, 0)),
            pl.BlockSpec((1, 1, B), lambda i: (i, 0, 0)),
            pl.BlockSpec((1, 1), lambda i: (0, 0), memory_space=pltpu.SMEM),
        ],
        out_shape=[
            jax.ShapeDtypeStruct((K, D), jnp.float32),
            jax.ShapeDtypeStruct((NB, 1, B), jnp.int32),
            jax.ShapeDtypeStruct((1, 1), jnp.float32),
        ],
        scratch_shapes=[pltpu.VMEM((K, D), jnp.float32)],
    )(x.T, codebook)
    idx = idx3.reshape(N)
    q = _sc_gather(cbn, idx)
    loss = (loss_sum * ((1.0 + COMMITMENT_COST) / (N * D))).reshape(())
    return q, loss, idx

# --- scband reference (transcript-rebuilt; emitter-appended) ---
"""Pipeline reference for scband-psm-48155173322926 (READ-ONLY COPY).

The authoritative reference and input builder live on the scoring server;
editing this copy changes nothing except your own understanding.
"""

import jax, jax.numpy as jnp
import numpy as np

N = 262144
D = 64
K = 512
COMMITMENT_COST = 0.25


def _l2norm(v, axis=-1, eps=1e-12):
    # matches torch F.normalize(p=2): v / max(||v||, eps)
    n = jnp.linalg.norm(v, axis=axis, keepdims=True)
    return v / jnp.maximum(n, eps)


def setup_inputs(seed: int = 0) -> dict:
    key = jax.random.key(seed)
    k1, k2 = jax.random.split(key)
    x = jax.random.normal(k1, (N, D), dtype=jnp.float32)
    # learned parameter: VQ codebook (nn.Embedding(num_embed=512, hidden_dim=64))
    codebook = jax.random.normal(k2, (K, D), dtype=jnp.float32)
    return {"x": x, "codebook": codebook}


def reference(x, codebook):
    # VectorQuantizer.forward
    xn = _l2norm(x, axis=-1)
    # get_code_indices: distances with row-normalized codebook
    cbn = _l2norm(codebook, axis=-1)
    distances = (
        jnp.sum(xn ** 2, axis=-1, keepdims=True)
        + jnp.sum(cbn ** 2, axis=1)
        - 2.0 * jnp.matmul(xn, cbn.T)
    )
    encoding_indices = jnp.argmin(distances, axis=1)
    # quantize: gather codebook rows then normalize
    quantized = _l2norm(jnp.take(codebook, encoding_indices, axis=0), axis=-1)
    q_latent_loss = jnp.mean((quantized - jax.lax.stop_gradient(xn)) ** 2)
    e_latent_loss = jnp.mean((xn - jax.lax.stop_gradient(quantized)) ** 2)
    loss = q_latent_loss + COMMITMENT_COST * e_latent_loss
    # straight-through estimator
    quantized_st = xn + jax.lax.stop_gradient(quantized - xn)
    return quantized_st, loss, encoding_indices

if __name__ == "__main__":
    import jax
    _d = setup_inputs()
    print(jax.jit(kernel)(*tuple(_d.values())))

</pallas_src>

<mosaic_0001>
#map = affine_map<(d0, d1) -> (0, 0)>
#map1 = affine_map<(d0, d1) -> (0)>
module attributes {stable_mosaic.version = 14 : i64} {
  func.func @_sc_gather(%arg0: i32, %arg1: i32, %arg2: memref<512x64xf32, #tpu.memory_space<hbm>>, %arg3: memref<262144xi32, #tpu.memory_space<hbm>>, %arg4: memref<262144x64xf32, #tpu.memory_space<hbm>>, %arg5: memref<1024xi32, #tpu.memory_space<vmem>>, %arg6: memref<1024x64xf32, #tpu.memory_space<vmem>>, %arg7: memref<!tpu.dma_semaphore, #tpu.memory_space<semaphore_mem>>) attributes {dimension_semantics = [#tpu.dimension_semantics<core_parallel>, #tpu.dimension_semantics<subcore_parallel>], iteration_bounds = array<i64: 2, 16>, scalar_prefetch = 0 : i64, scratch_operands = 3 : i64, tpu.core_type = #tpu.core_type<sc_vector_subcore>, window_params = [{transform_indices = #map}, {transform_indices = #map1}, {transform_indices = #map}]} {
    %mul3A = arith.constant 2 : i32
    %mul3A_0 = arith.muli %arg1, %mul3A : i32
    %add3A = arith.addi %mul3A_0, %arg0 : i32
    %mul3A_1 = arith.constant 8192 : i32
    %mul3A_2 = arith.muli %add3A, %mul3A_1 : i32
    %add3A_3 = arith.constant 0 : i32
    %add3A_4 = arith.addi %mul3A_2, %add3A_3 : i32
    "tpu.region"() ({
      %run_scoped3A = tpu.sem_alloc : memref<!tpu.dma_semaphore, #tpu.memory_space<semaphore_mem>>
      %dma_start3A_65 = tpu.memref_slice %arg3[%add3A_4] : memref<262144xi32, #tpu.memory_space<hbm>> -> memref<1024xi32, #tpu.memory_space<hbm>>
      %dma_start3A_66 = tpu.memref_slice %arg3[%add3A_4] : memref<262144xi32, #tpu.memory_space<hbm>> -> memref<1024xi32, #tpu.memory_space<hbm>>
      tpu.enqueue_dma source(%dma_start3A_66 : memref<1024xi32, #tpu.memory_space<hbm>>) target(%arg5 : memref<1024xi32, #tpu.memory_space<vmem>>) target_semaphore(%run_scoped3A : memref<!tpu.dma_semaphore, #tpu.memory_space<semaphore_mem>>)
      %dma_wait3A_67 = tpu.memref_slice %arg3[%add3A_4] : memref<262144xi32, #tpu.memory_space<hbm>> -> memref<1024xi32, #tpu.memory_space<hbm>>
      %dma_wait3A_68 = tpu.memref_slice %arg3[%add3A_4] : memref<262144xi32, #tpu.memory_space<hbm>> -> memref<1024xi32, #tpu.memory_space<hbm>>
      tpu.wait_dma2 semaphore(%run_scoped3A : memref<!tpu.dma_semaphore, #tpu.memory_space<semaphore_mem>>) src(%dma_wait3A_68 : memref<1024xi32, #tpu.memory_space<hbm>>) dst(%arg5 : memref<1024xi32, #tpu.memory_space<vmem>>)
      tpu.yield
    }) : () -> ()
    %dma_start3A = arith.constant 0 : i32
    %dma_start3A_5 = arith.constant 0 : i32
    %dma_start3A_6 = tpu.memref_slice %arg2[%dma_start3A, %dma_start3A_5] : memref<512x64xf32, #tpu.memory_space<hbm>> -> memref<512x64xf32, #tpu.memory_space<hbm>>
    tpu.enqueue_indirect_dma source(%dma_start3A_6 : memref<512x64xf32, #tpu.memory_space<hbm>>) target(%arg6 : memref<1024x64xf32, #tpu.memory_space<vmem>>) offsets(%arg5 : memref<1024xi32, #tpu.memory_space<vmem>>) semaphore(%arg7 : memref<!tpu.dma_semaphore, #tpu.memory_space<semaphore_mem>>)
    %dma_wait3A = arith.constant 0 : i32
    %dma_wait3A_7 = arith.constant 0 : i32
    %dma_wait3A_8 = tpu.memref_slice %arg2[%dma_wait3A, %dma_wait3A_7] : memref<512x64xf32, #tpu.memory_space<hbm>> -> memref<512x64xf32, #tpu.memory_space<hbm>>
    tpu.wait_indirect_dma semaphore(%arg7 : memref<!tpu.dma_semaphore, #tpu.memory_space<semaphore_mem>>) src(%dma_wait3A_8 : memref<512x64xf32, #tpu.memory_space<hbm>>) dst(%arg6 : memref<1024x64xf32, #tpu.memory_space<vmem>>)
    "tpu.region"() ({
      %run_scoped3A = tpu.sem_alloc : memref<!tpu.dma_semaphore, #tpu.memory_space<semaphore_mem>>
      %dma_start3A_65 = arith.constant 0 : i32
      %dma_start3A_66 = tpu.memref_slice %arg4[%add3A_4, %dma_start3A_65] : memref<262144x64xf32, #tpu.memory_space<hbm>> -> memref<1024x64xf32, #tpu.memory_space<hbm>>
      %dma_start3A_67 = arith.constant 0 : i32
      %dma_start3A_68 = tpu.memref_slice %arg4[%add3A_4, %dma_start3A_67] : memref<262144x64xf32, #tpu.memory_space<hbm>> -> memref<1024x64xf32, #tpu.memory_space<hbm>>
      tpu.enqueue_dma source(%arg6 : memref<1024x64xf32, #tpu.memory_space<vmem>>) target(%dma_start3A_68 : memref<1024x64xf32, #tpu.memory_space<hbm>>) target_semaphore(%run_scoped3A : memref<!tpu.dma_semaphore, #tpu.memory_space<semaphore_mem>>)
      %dma_wait3A_69 = arith.constant 0 : i32
      %dma_wait3A_70 = tpu.memref_slice %arg4[%add3A_4, %dma_wait3A_69] : memref<262144x64xf32, #tpu.memory_space<hbm>> -> memref<1024x64xf32, #tpu.memory_space<hbm>>
      %dma_wait3A_71 = arith.constant 0 : i32
      %dma_wait3A_72 = tpu.memref_slice %arg4[%add3A_4, %dma_wait3A_71] : memref<262144x64xf32, #tpu.memory_space<hbm>> -> memref<1024x64xf32, #tpu.memory_space<hbm>>
      tpu.wait_dma2 semaphore(%run_scoped3A : memref<!tpu.dma_semaphore, #tpu.memory_space<semaphore_mem>>) src(%arg6 : memref<1024x64xf32, #tpu.memory_space<vmem>>) dst(%dma_wait3A_72 : memref<1024x64xf32, #tpu.memory_space<hbm>>)
      tpu.yield
    }) : () -> ()
    %add3A_9 = arith.constant 1024 : i32
    %add3A_10 = arith.addi %mul3A_2, %add3A_9 : i32
    "tpu.region"() ({
      %run_scoped3A = tpu.sem_alloc : memref<!tpu.dma_semaphore, #tpu.memory_space<semaphore_mem>>
      %dma_start3A_65 = tpu.memref_slice %arg3[%add3A_10] : memref<262144xi32, #tpu.memory_space<hbm>> -> memref<1024xi32, #tpu.memory_space<hbm>>
      %dma_start3A_66 = tpu.memref_slice %arg3[%add3A_10] : memref<262144xi32, #tpu.memory_space<hbm>> -> memref<1024xi32, #tpu.memory_space<hbm>>
      tpu.enqueue_dma source(%dma_start3A_66 : memref<1024xi32, #tpu.memory_space<hbm>>) target(%arg5 : memref<1024xi32, #tpu.memory_space<vmem>>) target_semaphore(%run_scoped3A : memref<!tpu.dma_semaphore, #tpu.memory_space<semaphore_mem>>)
      %dma_wait3A_67 = tpu.memref_slice %arg3[%add3A_10] : memref<262144xi32, #tpu.memory_space<hbm>> -> memref<1024xi32, #tpu.memory_space<hbm>>
      %dma_wait3A_68 = tpu.memref_slice %arg3[%add3A_10] : memref<262144xi32, #tpu.memory_space<hbm>> -> memref<1024xi32, #tpu.memory_space<hbm>>
      tpu.wait_dma2 semaphore(%run_scoped3A : memref<!tpu.dma_semaphore, #tpu.memory_space<semaphore_mem>>) src(%dma_wait3A_68 : memref<1024xi32, #tpu.memory_space<hbm>>) dst(%arg5 : memref<1024xi32, #tpu.memory_space<vmem>>)
      tpu.yield
    }) : () -> ()
    %dma_start3A_11 = arith.constant 0 : i32
    %dma_start3A_12 = arith.constant 0 : i32
    %dma_start3A_13 = tpu.memref_slice %arg2[%dma_start3A_11, %dma_start3A_12] : memref<512x64xf32, #tpu.memory_space<hbm>> -> memref<512x64xf32, #tpu.memory_space<hbm>>
    tpu.enqueue_indirect_dma source(%dma_start3A_13 : memref<512x64xf32, #tpu.memory_space<hbm>>) target(%arg6 : memref<1024x64xf32, #tpu.memory_space<vmem>>) offsets(%arg5 : memref<1024xi32, #tpu.memory_space<vmem>>) semaphore(%arg7 : memref<!tpu.dma_semaphore, #tpu.memory_space<semaphore_mem>>)
    %dma_wait3A_14 = arith.constant 0 : i32
    %dma_wait3A_15 = arith.constant 0 : i32
    %dma_wait3A_16 = tpu.memref_slice %arg2[%dma_wait3A_14, %dma_wait3A_15] : memref<512x64xf32, #tpu.memory_space<hbm>> -> memref<512x64xf32, #tpu.memory_space<hbm>>
    tpu.wait_indirect_dma semaphore(%arg7 : memref<!tpu.dma_semaphore, #tpu.memory_space<semaphore_mem>>) src(%dma_wait3A_16 : memref<512x64xf32, #tpu.memory_space<hbm>>) dst(%arg6 : memref<1024x64xf32, #tpu.memory_space<vmem>>)
    "tpu.region"() ({
      %run_scoped3A = tpu.sem_alloc : memref<!tpu.dma_semaphore, #tpu.memory_space<semaphore_mem>>
      %dma_start3A_65 = arith.constant 0 : i32
      %dma_start3A_66 = tpu.memref_slice %arg4[%add3A_10, %dma_start3A_65] : memref<262144x64xf32, #tpu.memory_space<hbm>> -> memref<1024x64xf32, #tpu.memory_space<hbm>>
      %dma_start3A_67 = arith.constant 0 : i32
      %dma_start3A_68 = tpu.memref_slice %arg4[%add3A_10, %dma_start3A_67] : memref<262144x64xf32, #tpu.memory_space<hbm>> -> memref<1024x64xf32, #tpu.memory_space<hbm>>
      tpu.enqueue_dma source(%arg6 : memref<1024x64xf32, #tpu.memory_space<vmem>>) target(%dma_start3A_68 : memref<1024x64xf32, #tpu.memory_space<hbm>>) target_semaphore(%run_scoped3A : memref<!tpu.dma_semaphore, #tpu.memory_space<semaphore_mem>>)
      %dma_wait3A_69 = arith.constant 0 : i32
      %dma_wait3A_70 = tpu.memref_slice %arg4[%add3A_10, %dma_wait3A_69] : memref<262144x64xf32, #tpu.memory_space<hbm>> -> memref<1024x64xf32, #tpu.memory_space<hbm>>
      %dma_wait3A_71 = arith.constant 0 : i32
      %dma_wait3A_72 = tpu.memref_slice %arg4[%add3A_10, %dma_wait3A_71] : memref<262144x64xf32, #tpu.memory_space<hbm>> -> memref<1024x64xf32, #tpu.memory_space<hbm>>
      tpu.wait_dma2 semaphore(%run_scoped3A : memref<!tpu.dma_semaphore, #tpu.memory_space<semaphore_mem>>) src(%arg6 : memref<1024x64xf32, #tpu.memory_space<vmem>>) dst(%dma_wait3A_72 : memref<1024x64xf32, #tpu.memory_space<hbm>>)
      tpu.yield
    }) : () -> ()
    %add3A_17 = arith.constant 2048 : i32
    %add3A_18 = arith.addi %mul3A_2, %add3A_17 : i32
    "tpu.region"() ({
      %run_scoped3A = tpu.sem_alloc : memref<!tpu.dma_semaphore, #tpu.memory_space<semaphore_mem>>
      %dma_start3A_65 = tpu.memref_slice %arg3[%add3A_18] : memref<262144xi32, #tpu.memory_space<hbm>> -> memref<1024xi32, #tpu.memory_space<hbm>>
      %dma_start3A_66 = tpu.memref_slice %arg3[%add3A_18] : memref<262144xi32, #tpu.memory_space<hbm>> -> memref<1024xi32, #tpu.memory_space<hbm>>
      tpu.enqueue_dma source(%dma_start3A_66 : memref<1024xi32, #tpu.memory_space<hbm>>) target(%arg5 : memref<1024xi32, #tpu.memory_space<vmem>>) target_semaphore(%run_scoped3A : memref<!tpu.dma_semaphore, #tpu.memory_space<semaphore_mem>>)
      %dma_wait3A_67 = tpu.memref_slice %arg3[%add3A_18] : memref<262144xi32, #tpu.memory_space<hbm>> -> memref<1024xi32, #tpu.memory_space<hbm>>
      %dma_wait3A_68 = tpu.memref_slice %arg3[%add3A_18] : memref<262144xi32, #tpu.memory_space<hbm>> -> memref<1024xi32, #tpu.memory_space<hbm>>
      tpu.wait_dma2 semaphore(%run_scoped3A : memref<!tpu.dma_semaphore, #tpu.memory_space<semaphore_mem>>) src(%dma_wait3A_68 : memref<1024xi32, #tpu.memory_space<hbm>>) dst(%arg5 : memref<1024xi32, #tpu.memory_space<vmem>>)
      tpu.yield
    }) : () -> ()
    %dma_start3A_19 = arith.constant 0 : i32
    %dma_start3A_20 = arith.constant 0 : i32
    %dma_start3A_21 = tpu.memref_slice %arg2[%dma_start3A_19, %dma_start3A_20] : memref<512x64xf32, #tpu.memory_space<hbm>> -> memref<512x64xf32, #tpu.memory_space<hbm>>
    tpu.enqueue_indirect_dma source(%dma_start3A_21 : memref<512x64xf32, #tpu.memory_space<hbm>>) target(%arg6 : memref<1024x64xf32, #tpu.memory_space<vmem>>) offsets(%arg5 : memref<1024xi32, #tpu.memory_space<vmem>>) semaphore(%arg7 : memref<!tpu.dma_semaphore, #tpu.memory_space<semaphore_mem>>)
    %dma_wait3A_22 = arith.constant 0 : i32
    %dma_wait3A_23 = arith.constant 0 : i32
    %dma_wait3A_24 = tpu.memref_slice %arg2[%dma_wait3A_22, %dma_wait3A_23] : memref<512x64xf32, #tpu.memory_space<hbm>> -> memref<512x64xf32, #tpu.memory_space<hbm>>
    tpu.wait_indirect_dma semaphore(%arg7 : memref<!tpu.dma_semaphore, #tpu.memory_space<semaphore_mem>>) src(%dma_wait3A_24 : memref<512x64xf32, #tpu.memory_space<hbm>>) dst(%arg6 : memref<1024x64xf32, #tpu.memory_space<vmem>>)
    "tpu.region"() ({
      %run_scoped3A = tpu.sem_alloc : memref<!tpu.dma_semaphore, #tpu.memory_space<semaphore_mem>>
      %dma_start3A_65 = arith.constant 0 : i32
      %dma_start3A_66 = tpu.memref_slice %arg4[%add3A_18, %dma_start3A_65] : memref<262144x64xf32, #tpu.memory_space<hbm>> -> memref<1024x64xf32, #tpu.memory_space<hbm>>
      %dma_start3A_67 = arith.constant 0 : i32
      %dma_start3A_68 = tpu.memref_slice %arg4[%add3A_18, %dma_start3A_67] : memref<262144x64xf32, #tpu.memory_space<hbm>> -> memref<1024x64xf32, #tpu.memory_space<hbm>>
      tpu.enqueue_dma source(%arg6 : memref<1024x64xf32, #tpu.memory_space<vmem>>) target(%dma_start3A_68 : memref<1024x64xf32, #tpu.memory_space<hbm>>) target_semaphore(%run_scoped3A : memref<!tpu.dma_semaphore, #tpu.memory_space<semaphore_mem>>)
      %dma_wait3A_69 = arith.constant 0 : i32
      %dma_wait3A_70 = tpu.memref_slice %arg4[%add3A_18, %dma_wait3A_69] : memref<262144x64xf32, #tpu.memory_space<hbm>> -> memref<1024x64xf32, #tpu.memory_space<hbm>>
      %dma_wait3A_71 = arith.constant 0 : i32
      %dma_wait3A_72 = tpu.memref_slice %arg4[%add3A_18, %dma_wait3A_71] : memref<262144x64xf32, #tpu.memory_space<hbm>> -> memref<1024x64xf32, #tpu.memory_space<hbm>>
      tpu.wait_dma2 semaphore(%run_scoped3A : memref<!tpu.dma_semaphore, #tpu.memory_space<semaphore_mem>>) src(%arg6 : memref<1024x64xf32, #tpu.memory_space<vmem>>) dst(%dma_wait3A_72 : memref<1024x64xf32, #tpu.memory_space<hbm>>)
      tpu.yield
    }) : () -> ()
    %add3A_25 = arith.constant 3072 : i32
    %add3A_26 = arith.addi %mul3A_2, %add3A_25 : i32
    "tpu.region"() ({
      %run_scoped3A = tpu.sem_alloc : memref<!tpu.dma_semaphore, #tpu.memory_space<semaphore_mem>>
      %dma_start3A_65 = tpu.memref_slice %arg3[%add3A_26] : memref<262144xi32, #tpu.memory_space<hbm>> -> memref<1024xi32, #tpu.memory_space<hbm>>
      %dma_start3A_66 = tpu.memref_slice %arg3[%add3A_26] : memref<262144xi32, #tpu.memory_space<hbm>> -> memref<1024xi32, #tpu.memory_space<hbm>>
      tpu.enqueue_dma source(%dma_start3A_66 : memref<1024xi32, #tpu.memory_space<hbm>>) target(%arg5 : memref<1024xi32, #tpu.memory_space<vmem>>) target_semaphore(%run_scoped3A : memref<!tpu.dma_semaphore, #tpu.memory_space<semaphore_mem>>)
      %dma_wait3A_67 = tpu.memref_slice %arg3[%add3A_26] : memref<262144xi32, #tpu.memory_space<hbm>> -> memref<1024xi32, #tpu.memory_space<hbm>>
      %dma_wait3A_68 = tpu.memref_slice %arg3[%add3A_26] : memref<262144xi32, #tpu.memory_space<hbm>> -> memref<1024xi32, #tpu.memory_space<hbm>>
      tpu.wait_dma2 semaphore(%run_scoped3A : memref<!tpu.dma_semaphore, #tpu.memory_space<semaphore_mem>>) src(%dma_wait3A_68 : memref<1024xi32, #tpu.memory_space<hbm>>) dst(%arg5 : memref<1024xi32, #tpu.memory_space<vmem>>)
      tpu.yield
    }) : () -> ()
    %dma_start3A_27 = arith.constant 0 : i32
    %dma_start3A_28 = arith.constant 0 : i32
    %dma_start3A_29 = tpu.memref_slice %arg2[%dma_start3A_27, %dma_start3A_28] : memref<512x64xf32, #tpu.memory_space<hbm>> -> memref<512x64xf32, #tpu.memory_space<hbm>>
    tpu.enqueue_indirect_dma source(%dma_start3A_29 : memref<512x64xf32, #tpu.memory_space<hbm>>) target(%arg6 : memref<1024x64xf32, #tpu.memory_space<vmem>>) offsets(%arg5 : memref<1024xi32, #tpu.memory_space<vmem>>) semaphore(%arg7 : memref<!tpu.dma_semaphore, #tpu.memory_space<semaphore_mem>>)
    %dma_wait3A_30 = arith.constant 0 : i32
    %dma_wait3A_31 = arith.constant 0 : i32
    %dma_wait3A_32 = tpu.memref_slice %arg2[%dma_wait3A_30, %dma_wait3A_31] : memref<512x64xf32, #tpu.memory_space<hbm>> -> memref<512x64xf32, #tpu.memory_space<hbm>>
    tpu.wait_indirect_dma semaphore(%arg7 : memref<!tpu.dma_semaphore, #tpu.memory_space<semaphore_mem>>) src(%dma_wait3A_32 : memref<512x64xf32, #tpu.memory_space<hbm>>) dst(%arg6 : memref<1024x64xf32, #tpu.memory_space<vmem>>)
    "tpu.region"() ({
      %run_scoped3A = tpu.sem_alloc : memref<!tpu.dma_semaphore, #tpu.memory_space<semaphore_mem>>
      %dma_start3A_65 = arith.constant 0 : i32
      %dma_start3A_66 = tpu.memref_slice %arg4[%add3A_26, %dma_start3A_65] : memref<262144x64xf32, #tpu.memory_space<hbm>> -> memref<1024x64xf32, #tpu.memory_space<hbm>>
      %dma_start3A_67 = arith.constant 0 : i32
      %dma_start3A_68 = tpu.memref_slice %arg4[%add3A_26, %dma_start3A_67] : memref<262144x64xf32, #tpu.memory_space<hbm>> -> memref<1024x64xf32, #tpu.memory_space<hbm>>
      tpu.enqueue_dma source(%arg6 : memref<1024x64xf32, #tpu.memory_space<vmem>>) target(%dma_start3A_68 : memref<1024x64xf32, #tpu.memory_space<hbm>>) target_semaphore(%run_scoped3A : memref<!tpu.dma_semaphore, #tpu.memory_space<semaphore_mem>>)
      %dma_wait3A_69 = arith.constant 0 : i32
      %dma_wait3A_70 = tpu.memref_slice %arg4[%add3A_26, %dma_wait3A_69] : memref<262144x64xf32, #tpu.memory_space<hbm>> -> memref<1024x64xf32, #tpu.memory_space<hbm>>
      %dma_wait3A_71 = arith.constant 0 : i32
      %dma_wait3A_72 = tpu.memref_slice %arg4[%add3A_26, %dma_wait3A_71] : memref<262144x64xf32, #tpu.memory_space<hbm>> -> memref<1024x64xf32, #tpu.memory_space<hbm>>
      tpu.wait_dma2 semaphore(%run_scoped3A : memref<!tpu.dma_semaphore, #tpu.memory_space<semaphore_mem>>) src(%arg6 : memref<1024x64xf32, #tpu.memory_space<vmem>>) dst(%dma_wait3A_72 : memref<1024x64xf32, #tpu.memory_space<hbm>>)
      tpu.yield
    }) : () -> ()
    %add3A_33 = arith.constant 4096 : i32
    %add3A_34 = arith.addi %mul3A_2, %add3A_33 : i32
    "tpu.region"() ({
      %run_scoped3A = tpu.sem_alloc : memref<!tpu.dma_semaphore, #tpu.memory_space<semaphore_mem>>
      %dma_start3A_65 = tpu.memref_slice %arg3[%add3A_34] : memref<262144xi32, #tpu.memory_space<hbm>> -> memref<1024xi32, #tpu.memory_space<hbm>>
      %dma_start3A_66 = tpu.memref_slice %arg3[%add3A_34] : memref<262144xi32, #tpu.memory_space<hbm>> -> memref<1024xi32, #tpu.memory_space<hbm>>
      tpu.enqueue_dma source(%dma_start3A_66 : memref<1024xi32, #tpu.memory_space<hbm>>) target(%arg5 : memref<1024xi32, #tpu.memory_space<vmem>>) target_semaphore(%run_scoped3A : memref<!tpu.dma_semaphore, #tpu.memory_space<semaphore_mem>>)
      %dma_wait3A_67 = tpu.memref_slice %arg3[%add3A_34] : memref<262144xi32, #tpu.memory_space<hbm>> -> memref<1024xi32, #tpu.memory_space<hbm>>
      %dma_wait3A_68 = tpu.memref_slice %arg3[%add3A_34] : memref<262144xi32, #tpu.memory_space<hbm>> -> memref<1024xi32, #tpu.memory_space<hbm>>
      tpu.wait_dma2 semaphore(%run_scoped3A : memref<!tpu.dma_semaphore, #tpu.memory_space<semaphore_mem>>) src(%dma_wait3A_68 : memref<1024xi32, #tpu.memory_space<hbm>>) dst(%arg5 : memref<1024xi32, #tpu.memory_space<vmem>>)
      tpu.yield
    }) : () -> ()
    %dma_start3A_35 = arith.constant 0 : i32
    %dma_start3A_36 = arith.constant 0 : i32
    %dma_start3A_37 = tpu.memref_slice %arg2[%dma_start3A_35, %dma_start3A_36] : memref<512x64xf32, #tpu.memory_space<hbm>> -> memref<512x64xf32, #tpu.memory_space<hbm>>
    tpu.enqueue_indirect_dma source(%dma_start3A_37 : memref<512x64xf32, #tpu.memory_space<hbm>>) target(%arg6 : memref<1024x64xf32, #tpu.memory_space<vmem>>) offsets(%arg5 : memref<1024xi32, #tpu.memory_space<vmem>>) semaphore(%arg7 : memref<!tpu.dma_semaphore, #tpu.memory_space<semaphore_mem>>)
    %dma_wait3A_38 = arith.constant 0 : i32
    %dma_wait3A_39 = arith.constant 0 : i32
    %dma_wait3A_40 = tpu.memref_slice %arg2[%dma_wait3A_38, %dma_wait3A_39] : memref<512x64xf32, #tpu.memory_space<hbm>> -> memref<512x64xf32, #tpu.memory_space<hbm>>
    tpu.wait_indirect_dma semaphore(%arg7 : memref<!tpu.dma_semaphore, #tpu.memory_space<semaphore_mem>>) src(%dma_wait3A_40 : memref<512x64xf32, #tpu.memory_space<hbm>>) dst(%arg6 : memref<1024x64xf32, #tpu.memory_space<vmem>>)
    "tpu.region"() ({
      %run_scoped3A = tpu.sem_alloc : memref<!tpu.dma_semaphore, #tpu.memory_space<semaphore_mem>>
      %dma_start3A_65 = arith.constant 0 : i32
      %dma_start3A_66 = tpu.memref_slice %arg4[%add3A_34, %dma_start3A_65] : memref<262144x64xf32, #tpu.memory_space<hbm>> -> memref<1024x64xf32, #tpu.memory_space<hbm>>
      %dma_start3A_67 = arith.constant 0 : i32
      %dma_start3A_68 = tpu.memref_slice %arg4[%add3A_34, %dma_start3A_67] : memref<262144x64xf32, #tpu.memory_space<hbm>> -> memref<1024x64xf32, #tpu.memory_space<hbm>>
      tpu.enqueue_dma source(%arg6 : memref<1024x64xf32, #tpu.memory_space<vmem>>) target(%dma_start3A_68 : memref<1024x64xf32, #tpu.memory_space<hbm>>) target_semaphore(%run_scoped3A : memref<!tpu.dma_semaphore, #tpu.memory_space<semaphore_mem>>)
      %dma_wait3A_69 = arith.constant 0 : i32
      %dma_wait3A_70 = tpu.memref_slice %arg4[%add3A_34, %dma_wait3A_69] : memref<262144x64xf32, #tpu.memory_space<hbm>> -> memref<1024x64xf32, #tpu.memory_space<hbm>>
      %dma_wait3A_71 = arith.constant 0 : i32
      %dma_wait3A_72 = tpu.memref_slice %arg4[%add3A_34, %dma_wait3A_71] : memref<262144x64xf32, #tpu.memory_space<hbm>> -> memref<1024x64xf32, #tpu.memory_space<hbm>>
      tpu.wait_dma2 semaphore(%run_scoped3A : memref<!tpu.dma_semaphore, #tpu.memory_space<semaphore_mem>>) src(%arg6 : memref<1024x64xf32, #tpu.memory_space<vmem>>) dst(%dma_wait3A_72 : memref<1024x64xf32, #tpu.memory_space<hbm>>)
      tpu.yield
    }) : () -> ()
    %add3A_41 = arith.constant 5120 : i32
    %add3A_42 = arith.addi %mul3A_2, %add3A_41 : i32
    "tpu.region"() ({
      %run_scoped3A = tpu.sem_alloc : memref<!tpu.dma_semaphore, #tpu.memory_space<semaphore_mem>>
      %dma_start3A_65 = tpu.memref_slice %arg3[%add3A_42] : memref<262144xi32, #tpu.memory_space<hbm>> -> memref<1024xi32, #tpu.memory_space<hbm>>
      %dma_start3A_66 = tpu.memref_slice %arg3[%add3A_42] : memref<262144xi32, #tpu.memory_space<hbm>> -> memref<1024xi32, #tpu.memory_space<hbm>>
      tpu.enqueue_dma source(%dma_start3A_66 : memref<1024xi32, #tpu.memory_space<hbm>>) target(%arg5 : memref<1024xi32, #tpu.memory_space<vmem>>) target_semaphore(%run_scoped3A : memref<!tpu.dma_semaphore, #tpu.memory_space<semaphore_mem>>)
      %dma_wait3A_67 = tpu.memref_slice %arg3[%add3A_42] : memref<262144xi32, #tpu.memory_space<hbm>> -> memref<1024xi32, #tpu.memory_space<hbm>>
      %dma_wait3A_68 = tpu.memref_slice %arg3[%add3A_42] : memref<262144xi32, #tpu.memory_space<hbm>> -> memref<1024xi32, #tpu.memory_space<hbm>>
      tpu.wait_dma2 semaphore(%run_scoped3A : memref<!tpu.dma_semaphore, #tpu.memory_space<semaphore_mem>>) src(%dma_wait3A_68 : memref<1024xi32, #tpu.memory_space<hbm>>) dst(%arg5 : memref<1024xi32, #tpu.memory_space<vmem>>)
      tpu.yield
    }) : () -> ()
    %dma_start3A_43 = arith.constant 0 : i32
    %dma_start3A_44 = arith.constant 0 : i32
    %dma_start3A_45 = tpu.memref_slice %arg2[%dma_start3A_43, %dma_start3A_44] : memref<512x64xf32, #tpu.memory_space<hbm>> -> memref<512x64xf32, #tpu.memory_space<hbm>>
    tpu.enqueue_indirect_dma source(%dma_start3A_45 : memref<512x64xf32, #tpu.memory_space<hbm>>) target(%arg6 : memref<1024x64xf32, #tpu.memory_space<vmem>>) offsets(%arg5 : memref<1024xi32, #tpu.memory_space<vmem>>) semaphore(%arg7 : memref<!tpu.dma_semaphore, #tpu.memory_space<semaphore_mem>>)
    %dma_wait3A_46 = arith.constant 0 : i32
    %dma_wait3A_47 = arith.constant 0 : i32
    %dma_wait3A_48 = tpu.memref_slice %arg2[%dma_wait3A_46, %dma_wait3A_47] : memref<512x64xf32, #tpu.memory_space<hbm>> -> memref<512x64xf32, #tpu.memory_space<hbm>>
    tpu.wait_indirect_dma semaphore(%arg7 : memref<!tpu.dma_semaphore, #tpu.memory_space<semaphore_mem>>) src(%dma_wait3A_48 : memref<512x64xf32, #tpu.memory_space<hbm>>) dst(%arg6 : memref<1024x64xf32, #tpu.memory_space<vmem>>)
    "tpu.region"() ({
      %run_scoped3A = tpu.sem_alloc : memref<!tpu.dma_semaphore, #tpu.memory_space<semaphore_mem>>
      %dma_start3A_65 = arith.constant 0 : i32
      %dma_start3A_66 = tpu.memref_slice %arg4[%add3A_42, %dma_start3A_65] : memref<262144x64xf32, #tpu.memory_space<hbm>> -> memref<1024x64xf32, #tpu.memory_space<hbm>>
      %dma_start3A_67 = arith.constant 0 : i32
      %dma_start3A_68 = tpu.memref_slice %arg4[%add3A_42, %dma_start3A_67] : memref<262144x64xf32, #tpu.memory_space<hbm>> -> memref<1024x64xf32, #tpu.memory_space<hbm>>
      tpu.enqueue_dma source(%arg6 : memref<1024x64xf32, #tpu.memory_space<vmem>>) target(%dma_start3A_68 : memref<1024x64xf32, #tpu.memory_space<hbm>>) target_semaphore(%run_scoped3A : memref<!tpu.dma_semaphore, #tpu.memory_space<semaphore_mem>>)
      %dma_wait3A_69 = arith.constant 0 : i32
      %dma_wait3A_70 = tpu.memref_slice %arg4[%add3A_42, %dma_wait3A_69] : memref<262144x64xf32, #tpu.memory_space<hbm>> -> memref<1024x64xf32, #tpu.memory_space<hbm>>
      %dma_wait3A_71 = arith.constant 0 : i32
      %dma_wait3A_72 = tpu.memref_slice %arg4[%add3A_42, %dma_wait3A_71] : memref<262144x64xf32, #tpu.memory_space<hbm>> -> memref<1024x64xf32, #tpu.memory_space<hbm>>
      tpu.wait_dma2 semaphore(%run_scoped3A : memref<!tpu.dma_semaphore, #tpu.memory_space<semaphore_mem>>) src(%arg6 : memref<1024x64xf32, #tpu.memory_space<vmem>>) dst(%dma_wait3A_72 : memref<1024x64xf32, #tpu.memory_space<hbm>>)
      tpu.yield
    }) : () -> ()
    %add3A_49 = arith.constant 6144 : i32
    %add3A_50 = arith.addi %mul3A_2, %add3A_49 : i32
    "tpu.region"() ({
      %run_scoped3A = tpu.sem_alloc : memref<!tpu.dma_semaphore, #tpu.memory_space<semaphore_mem>>
      %dma_start3A_65 = tpu.memref_slice %arg3[%add3A_50] : memref<262144xi32, #tpu.memory_space<hbm>> -> memref<1024xi32, #tpu.memory_space<hbm>>
      %dma_start3A_66 = tpu.memref_slice %arg3[%add3A_50] : memref<262144xi32, #tpu.memory_space<hbm>> -> memref<1024xi32, #tpu.memory_space<hbm>>
      tpu.enqueue_dma source(%dma_start3A_66 : memref<1024xi32, #tpu.memory_space<hbm>>) target(%arg5 : memref<1024xi32, #tpu.memory_space<vmem>>) target_semaphore(%run_scoped3A : memref<!tpu.dma_semaphore, #tpu.memory_space<semaphore_mem>>)
      %dma_wait3A_67 = tpu.memref_slice %arg3[%add3A_50] : memref<262144xi32, #tpu.memory_space<hbm>> -> memref<1024xi32, #tpu.memory_space<hbm>>
      %dma_wait3A_68 = tpu.memref_slice %arg3[%add3A_50] : memref<262144xi32, #tpu.memory_space<hbm>> -> memref<1024xi32, #tpu.memory_space<hbm>>
      tpu.wait_dma2 semaphore(%run_scoped3A : memref<!tpu.dma_semaphore, #tpu.memory_space<semaphore_mem>>) src(%dma_wait3A_68 : memref<1024xi32, #tpu.memory_space<hbm>>) dst(%arg5 : memref<1024xi32, #tpu.memory_space<vmem>>)
      tpu.yield
    }) : () -> ()
    %dma_start3A_51 = arith.constant 0 : i32
    %dma_start3A_52 = arith.constant 0 : i32
    %dma_start3A_53 = tpu.memref_slice %arg2[%dma_start3A_51, %dma_start3A_52] : memref<512x64xf32, #tpu.memory_space<hbm>> -> memref<512x64xf32, #tpu.memory_space<hbm>>
    tpu.enqueue_indirect_dma source(%dma_start3A_53 : memref<512x64xf32, #tpu.memory_space<hbm>>) target(%arg6 : memref<1024x64xf32, #tpu.memory_space<vmem>>) offsets(%arg5 : memref<1024xi32, #tpu.memory_space<vmem>>) semaphore(%arg7 : memref<!tpu.dma_semaphore, #tpu.memory_space<semaphore_mem>>)
    %dma_wait3A_54 = arith.constant 0 : i32
    %dma_wait3A_55 = arith.constant 0 : i32
    %dma_wait3A_56 = tpu.memref_slice %arg2[%dma_wait3A_54, %dma_wait3A_55] : memref<512x64xf32, #tpu.memory_space<hbm>> -> memref<512x64xf32, #tpu.memory_space<hbm>>
    tpu.wait_indirect_dma semaphore(%arg7 : memref<!tpu.dma_semaphore, #tpu.memory_space<semaphore_mem>>) src(%dma_wait3A_56 : memref<512x64xf32, #tpu.memory_space<hbm>>) dst(%arg6 : memref<1024x64xf32, #tpu.memory_space<vmem>>)
    "tpu.region"() ({
      %run_scoped3A = tpu.sem_alloc : memref<!tpu.dma_semaphore, #tpu.memory_space<semaphore_mem>>
      %dma_start3A_65 = arith.constant 0 : i32
      %dma_start3A_66 = tpu.memref_slice %arg4[%add3A_50, %dma_start3A_65] : memref<262144x64xf32, #tpu.memory_space<hbm>> -> memref<1024x64xf32, #tpu.memory_space<hbm>>
      %dma_start3A_67 = arith.constant 0 : i32
      %dma_start3A_68 = tpu.memref_slice %arg4[%add3A_50, %dma_start3A_67] : memref<262144x64xf32, #tpu.memory_space<hbm>> -> memref<1024x64xf32, #tpu.memory_space<hbm>>
      tpu.enqueue_dma source(%arg6 : memref<1024x64xf32, #tpu.memory_space<vmem>>) target(%dma_start3A_68 : memref<1024x64xf32, #tpu.memory_space<hbm>>) target_semaphore(%run_scoped3A : memref<!tpu.dma_semaphore, #tpu.memory_space<semaphore_mem>>)
      %dma_wait3A_69 = arith.constant 0 : i32
      %dma_wait3A_70 = tpu.memref_slice %arg4[%add3A_50, %dma_wait3A_69] : memref<262144x64xf32, #tpu.memory_space<hbm>> -> memref<1024x64xf32, #tpu.memory_space<hbm>>
      %dma_wait3A_71 = arith.constant 0 : i32
      %dma_wait3A_72 = tpu.memref_slice %arg4[%add3A_50, %dma_wait3A_71] : memref<262144x64xf32, #tpu.memory_space<hbm>> -> memref<1024x64xf32, #tpu.memory_space<hbm>>
      tpu.wait_dma2 semaphore(%run_scoped3A : memref<!tpu.dma_semaphore, #tpu.memory_space<semaphore_mem>>) src(%arg6 : memref<1024x64xf32, #tpu.memory_space<vmem>>) dst(%dma_wait3A_72 : memref<1024x64xf32, #tpu.memory_space<hbm>>)
      tpu.yield
    }) : () -> ()
    %add3A_57 = arith.constant 7168 : i32
    %add3A_58 = arith.addi %mul3A_2, %add3A_57 : i32
    "tpu.region"() ({
      %run_scoped3A = tpu.sem_alloc : memref<!tpu.dma_semaphore, #tpu.memory_space<semaphore_mem>>
      %dma_start3A_65 = tpu.memref_slice %arg3[%add3A_58] : memref<262144xi32, #tpu.memory_space<hbm>> -> memref<1024xi32, #tpu.memory_space<hbm>>
      %dma_start3A_66 = tpu.memref_slice %arg3[%add3A_58] : memref<262144xi32, #tpu.memory_space<hbm>> -> memref<1024xi32, #tpu.memory_space<hbm>>
      tpu.enqueue_dma source(%dma_start3A_66 : memref<1024xi32, #tpu.memory_space<hbm>>) target(%arg5 : memref<1024xi32, #tpu.memory_space<vmem>>) target_semaphore(%run_scoped3A : memref<!tpu.dma_semaphore, #tpu.memory_space<semaphore_mem>>)
      %dma_wait3A_67 = tpu.memref_slice %arg3[%add3A_58] : memref<262144xi32, #tpu.memory_space<hbm>> -> memref<1024xi32, #tpu.memory_space<hbm>>
      %dma_wait3A_68 = tpu.memref_slice %arg3[%add3A_58] : memref<262144xi32, #tpu.memory_space<hbm>> -> memref<1024xi32, #tpu.memory_space<hbm>>
      tpu.wait_dma2 semaphore(%run_scoped3A : memref<!tpu.dma_semaphore, #tpu.memory_space<semaphore_mem>>) src(%dma_wait3A_68 : memref<1024xi32, #tpu.memory_space<hbm>>) dst(%arg5 : memref<1024xi32, #tpu.memory_space<vmem>>)
      tpu.yield
    }) : () -> ()
    %dma_start3A_59 = arith.constant 0 : i32
    %dma_start3A_60 = arith.constant 0 : i32
    %dma_start3A_61 = tpu.memref_slice %arg2[%dma_start3A_59, %dma_start3A_60] : memref<512x64xf32, #tpu.memory_space<hbm>> -> memref<512x64xf32, #tpu.memory_space<hbm>>
    tpu.enqueue_indirect_dma source(%dma_start3A_61 : memref<512x64xf32, #tpu.memory_space<hbm>>) target(%arg6 : memref<1024x64xf32, #tpu.memory_space<vmem>>) offsets(%arg5 : memref<1024xi32, #tpu.memory_space<vmem>>) semaphore(%arg7 : memref<!tpu.dma_semaphore, #tpu.memory_space<semaphore_mem>>)
    %dma_wait3A_62 = arith.constant 0 : i32
    %dma_wait3A_63 = arith.constant 0 : i32
    %dma_wait3A_64 = tpu.memref_slice %arg2[%dma_wait3A_62, %dma_wait3A_63] : memref<512x64xf32, #tpu.memory_space<hbm>> -> memref<512x64xf32, #tpu.memory_space<hbm>>
    tpu.wait_indirect_dma semaphore(%arg7 : memref<!tpu.dma_semaphore, #tpu.memory_space<semaphore_mem>>) src(%dma_wait3A_64 : memref<512x64xf32, #tpu.memory_space<hbm>>) dst(%arg6 : memref<1024x64xf32, #tpu.memory_space<vmem>>)
    "tpu.region"() ({
      %run_scoped3A = tpu.sem_alloc : memref<!tpu.dma_semaphore, #tpu.memory_space<semaphore_mem>>
      %dma_start3A_65 = arith.constant 0 : i32
      %dma_start3A_66 = tpu.memref_slice %arg4[%add3A_58, %dma_start3A_65] : memref<262144x64xf32, #tpu.memory_space<hbm>> -> memref<1024x64xf32, #tpu.memory_space<hbm>>
      %dma_start3A_67 = arith.constant 0 : i32
      %dma_start3A_68 = tpu.memref_slice %arg4[%add3A_58, %dma_start3A_67] : memref<262144x64xf32, #tpu.memory_space<hbm>> -> memref<1024x64xf32, #tpu.memory_space<hbm>>
      tpu.enqueue_dma source(%arg6 : memref<1024x64xf32, #tpu.memory_space<vmem>>) target(%dma_start3A_68 : memref<1024x64xf32, #tpu.memory_space<hbm>>) target_semaphore(%run_scoped3A : memref<!tpu.dma_semaphore, #tpu.memory_space<semaphore_mem>>)
      %dma_wait3A_69 = arith.constant 0 : i32
      %dma_wait3A_70 = tpu.memref_slice %arg4[%add3A_58, %dma_wait3A_69] : memref<262144x64xf32, #tpu.memory_space<hbm>> -> memref<1024x64xf32, #tpu.memory_space<hbm>>
      %dma_wait3A_71 = arith.constant 0 : i32
      %dma_wait3A_72 = tpu.memref_slice %arg4[%add3A_58, %dma_wait3A_71] : memref<262144x64xf32, #tpu.memory_space<hbm>> -> memref<1024x64xf32, #tpu.memory_space<hbm>>
      tpu.wait_dma2 semaphore(%run_scoped3A : memref<!tpu.dma_semaphore, #tpu.memory_space<semaphore_mem>>) src(%arg6 : memref<1024x64xf32, #tpu.memory_space<vmem>>) dst(%dma_wait3A_72 : memref<1024x64xf32, #tpu.memory_space<hbm>>)
      tpu.yield
    }) : () -> ()
    return
  }
}

module attributes {stable_mosaic.version = 14 : i64} {
  func.func @_vq_body(%arg0: i32, %arg1: memref<64x2048xf32, #tpu.memory_space<vmem>>, %arg2: memref<512x64xf32, #tpu.memory_space<vmem>>, %arg3: memref<512x64xf32, #tpu.memory_space<vmem>>, %arg4: memref<1x1x2048xi32, #tpu.memory_space<vmem>>, %arg5: memref<1x1xf32, #tpu.memory_space<smem>>, %arg6: memref<512x64xf32, #tpu.memory_space<vmem>>) attributes {dimension_semantics = [#tpu.dimension_semantics<arbitrary>], iteration_bounds = array<i64: 128>, scalar_prefetch = 0 : i64, scratch_operands = 1 : i64, tpu.core_type = #tpu.core_type<tc>, window_params = [{transform_indices = @transform_0, window_bounds = array<i64: 64, 2048>}, {pipeline_mode = #tpu.pipeline_mode<synchronous>, transform_indices = @transform_1, window_bounds = array<i64: 512, 64>}, {pipeline_mode = #tpu.pipeline_mode<synchronous>, transform_indices = @transform_2, window_bounds = array<i64: 512, 64>}, {transform_indices = @transform_3, window_bounds = array<i64: 1, 1, 2048>}, {transform_indices = @transform_4, window_bounds = array<i64: 1, 1>}]} {
    %eq3A = arith.constant 0 : i32
    %eq3A_0 = arith.cmpi eq, %arg0, %eq3A : i32
    %convert_element_type3A = arith.extui %eq3A_0 : i1 to i32
    %cond3A = arith.constant 0 : i32
    %cond3A_1 = arith.cmpi ne, %convert_element_type3A, %cond3A : i32
    scf.if %cond3A_1 {
      %get3A_47 = arith.constant 0 : index
      %get3A_48 = arith.constant 0 : index
      %get3A_49 = vector.load %arg2[%get3A_47, %get3A_48] : memref<512x64xf32, #tpu.memory_space<vmem>>, vector<512x64xf32>
      %mul3A_50 = arith.mulf %get3A_49, %get3A_49 : vector<512x64xf32>
      %reduce_sum3A_51 = arith.constant dense<0.000000e+00> : vector<512xf32>
      %reduce_sum3A_52 = vector.multi_reduction <add>, %mul3A_50, %reduce_sum3A_51 [1] : vector<512x64xf32> to vector<512xf32>
      %broadcast_in_dim3A_53 = vector.shape_cast %reduce_sum3A_52 : vector<512xf32> to vector<512x1xf32>
      %sqrt3A_54 = math.sqrt %broadcast_in_dim3A_53 : vector<512x1xf32>
      %max3A_55 = arith.constant 9.99999996E-13 : f32
      %max3A_56 = vector.broadcast %max3A_55 : f32 to vector<512x1xf32>
      %max3A_57 = arith.maximumf %sqrt3A_54, %max3A_56 : vector<512x1xf32>
      %div3A_58 = vector.broadcast %max3A_57 : vector<512x1xf32> to vector<512x64xf32>
      %div3A_59 = arith.divf %get3A_49, %div3A_58 : vector<512x64xf32>
      %swap3A_60 = arith.constant 0 : index
      %swap3A_61 = arith.constant 0 : index
      %swap3A_62 = vector.load %arg6[%swap3A_60, %swap3A_61] : memref<512x64xf32, #tpu.memory_space<vmem>>, vector<512x64xf32>
      tpu.vector_store %arg6[%swap3A_60, %swap3A_61], %div3A_59 {strides = array<i32>} : memref<512x64xf32, #tpu.memory_space<vmem>>, vector<512x64xf32>,
      %swap3A_63 = arith.constant 0 : index
      %swap3A_64 = arith.constant 0 : index
      %swap3A_65 = vector.load %arg3[%swap3A_63, %swap3A_64] : memref<512x64xf32, #tpu.memory_space<vmem>>, vector<512x64xf32>
      tpu.vector_store %arg3[%swap3A_63, %swap3A_64], %div3A_59 {strides = array<i32>} : memref<512x64xf32, #tpu.memory_space<vmem>>, vector<512x64xf32>,
      %swap3A_66 = arith.constant 0.000000e+00 : f32
      %swap3A_67 = arith.constant 0 : index
      %swap3A_68 = arith.constant 0 : index
      %swap3A_69 = memref.load %arg5[%swap3A_67, %swap3A_68] : memref<1x1xf32, #tpu.memory_space<smem>>
      memref.store %swap3A_66, %arg5[%swap3A_67, %swap3A_68] : memref<1x1xf32, #tpu.memory_space<smem>>
    } else {
    }
    %get3A = arith.constant 0 : index
    %get3A_2 = arith.constant 0 : index
    %get3A_3 = vector.load %arg1[%get3A, %get3A_2] : memref<64x2048xf32, #tpu.memory_space<vmem>>, vector<64x2048xf32>
    %mul3A = arith.mulf %get3A_3, %get3A_3 : vector<64x2048xf32>
    %reduce_sum3A = arith.constant dense<0.000000e+00> : vector<2048xf32>
    %reduce_sum3A_4 = vector.multi_reduction <add>, %mul3A, %reduce_sum3A [0] : vector<64x2048xf32> to vector<2048xf32>
    %broadcast_in_dim3A = vector.shape_cast %reduce_sum3A_4 : vector<2048xf32> to vector<1x2048xf32>
    %sqrt3A = math.sqrt %broadcast_in_dim3A : vector<1x2048xf32>
    %max3A = arith.constant 9.99999996E-13 : f32
    %max3A_5 = vector.broadcast %max3A : f32 to vector<1x2048xf32>
    %max3A_6 = arith.maximumf %sqrt3A, %max3A_5 : vector<1x2048xf32>
    %div3A = vector.broadcast %max3A_6 : vector<1x2048xf32> to vector<64x2048xf32>
    %div3A_7 = arith.divf %get3A_3, %div3A : vector<64x2048xf32>
    %mul3A_8 = arith.mulf %div3A_7, %div3A_7 : vector<64x2048xf32>
    %reduce_sum3A_9 = arith.constant dense<0.000000e+00> : vector<2048xf32>
    %reduce_sum3A_10 = vector.multi_reduction <add>, %mul3A_8, %reduce_sum3A_9 [0] : vector<64x2048xf32> to vector<2048xf32>
    %broadcast_in_dim3A_11 = vector.shape_cast %reduce_sum3A_10 : vector<2048xf32> to vector<1x2048xf32>
    %get3A_12 = arith.constant 0 : index
    %get3A_13 = arith.constant 0 : index
    %get3A_14 = vector.load %arg6[%get3A_12, %get3A_13] : memref<512x64xf32, #tpu.memory_space<vmem>>, vector<512x64xf32>
    %dot_general3A = arith.constant dense<0.000000e+00> : vector<512x2048xf32>
    %dot_general3A_15 = tpu.matmul %get3A_14, %div3A_7, %dot_general3A {dimension_numbers = #tpu.dot_dimension_numbers<[1], [0], [0], [1], [0, 0, 1, 1], [], []>, transpose_lhs_hint = false} : vector<512x64xf32>, vector<64x2048xf32>, vector<512x2048xf32> -> vector<512x2048xf32>
    %reduce_max3A = arith.constant dense<0xFF800000> : vector<2048xf32>
    %reduce_max3A_16 = vector.multi_reduction <maximumf>, %dot_general3A_15, %reduce_max3A [0] : vector<512x2048xf32> to vector<2048xf32>
    %broadcast_in_dim3A_17 = vector.shape_cast %reduce_max3A_16 : vector<2048xf32> to vector<1x2048xf32>
    %iota3A = tpu.iota {dimensions = array<i32: 0>} : vector<512x2048xi32>
    %eq3A_18 = vector.broadcast %broadcast_in_dim3A_17 : vector<1x2048xf32> to vector<512x2048xf32>
    %eq3A_19 = arith.cmpf oeq, %dot_general3A_15, %eq3A_18 : vector<512x2048xf32>
    %jit3A = arith.constant 512 : i32
    %broadcast_in_dim3A_20 = vector.broadcast %jit3A : i32 to vector<512x2048xi32>
    %select_n3A = arith.select %eq3A_19, %iota3A, %broadcast_in_dim3A_20 : vector<512x2048xi1>, vector<512x2048xi32>
    %reduce_min3A = arith.constant dense<2147483647> : vector<2048xi32>
    %reduce_min3A_21 = vector.multi_reduction <minsi>, %select_n3A, %reduce_min3A [0] : vector<512x2048xi32> to vector<2048xi32>
    %swap3A = arith.constant 0 : index
    %swap3A_22 = arith.constant 0 : index
    %swap3A_23 = arith.constant 0 : index
    %swap3A_24 = vector.load %arg4[%swap3A, %swap3A_22, %swap3A_23] : memref<1x1x2048xi32, #tpu.memory_space<vmem>>, vector<1x1x2048xi32>
    %swap3A_25 = vector.shape_cast %swap3A_24 : vector<1x1x2048xi32> to vector<2048xi32>
    %swap3A_26 = vector.shape_cast %reduce_min3A_21 : vector<2048xi32> to vector<1x1x2048xi32>
    tpu.vector_store %arg4[%swap3A, %swap3A_22, %swap3A_23], %swap3A_26 {strides = array<i32>} : memref<1x1x2048xi32, #tpu.memory_space<vmem>>, vector<1x1x2048xi32>,
    %get3A_27 = arith.constant 0 : index
    %get3A_28 = arith.constant 0 : index
    %get3A_29 = memref.load %arg5[%get3A_27, %get3A_28] : memref<1x1xf32, #tpu.memory_space<smem>>
    %reduce_sum3A_30 = vector.shape_cast %broadcast_in_dim3A_11 : vector<1x2048xf32> to vector<1x1x2048xf32>
    %reduce_sum3A_31 = arith.constant dense<0.000000e+00> : vector<1xf32>
    %reduce_sum3A_32 = vector.multi_reduction <add>, %reduce_sum3A_30, %reduce_sum3A_31 [1, 2] : vector<1x1x2048xf32> to vector<1xf32>
    %reduce_sum3A_33 = vector.shape_cast %reduce_sum3A_32 : vector<1xf32> to vector<1x1x1xf32>
    %reduce_sum3A_34 = vector.extract %reduce_sum3A_33[0, 0, 0] : f32 from vector<1x1x1xf32>
    %add3A = arith.constant 2.048000e+03 : f32
    %add3A_35 = arith.addf %reduce_sum3A_34, %add3A : f32
    %reduce_sum3A_36 = vector.shape_cast %broadcast_in_dim3A_17 : vector<1x2048xf32> to vector<1x1x2048xf32>
    %reduce_sum3A_37 = arith.constant dense<0.000000e+00> : vector<1xf32>
    %reduce_sum3A_38 = vector.multi_reduction <add>, %reduce_sum3A_36, %reduce_sum3A_37 [1, 2] : vector<1x1x2048xf32> to vector<1xf32>
    %reduce_sum3A_39 = vector.shape_cast %reduce_sum3A_38 : vector<1xf32> to vector<1x1x1xf32>
    %reduce_sum3A_40 = vector.extract %reduce_sum3A_39[0, 0, 0] : f32 from vector<1x1x1xf32>
    %mul3A_41 = arith.constant 2.000000e+00 : f32
    %mul3A_42 = arith.mulf %mul3A_41, %reduce_sum3A_40 : f32
    %sub3A = arith.subf %add3A_35, %mul3A_42 : f32
    %add3A_43 = arith.addf %get3A_29, %sub3A : f32
    %swap3A_44 = arith.constant 0 : index
    %swap3A_45 = arith.constant 0 : index
    %swap3A_46 = memref.load %arg5[%swap3A_44, %swap3A_45] : memref<1x1xf32, #tpu.memory_space<smem>>
    memref.store %add3A_43, %arg5[%swap3A_44, %swap3A_45] : memref<1x1xf32, #tpu.memory_space<smem>>
    return
  }
  func.func @transform_0(%arg0: i32) -> (i32, i32) {
    %c0_i32 = arith.constant 0 : i32
    %c0_i32_0 = arith.constant 0 : i32
    return %c0_i32, %arg0 : i32, i32
  }
  func.func @transform_1(%arg0: i32) -> (i32, i32) {
    %c0_i32 = arith.constant 0 : i32
    %c0_i32_0 = arith.constant 0 : i32
    %c0_i32_1 = arith.constant 0 : i32
    return %c0_i32, %c0_i32_0 : i32, i32
  }
  func.func @transform_2(%arg0: i32) -> (i32, i32) {
    %c0_i32 = arith.constant 0 : i32
    %c0_i32_0 = arith.constant 0 : i32
    %c0_i32_1 = arith.constant 0 : i32
    return %c0_i32, %c0_i32_0 : i32, i32
  }
  func.func @transform_3(%arg0: i32) -> (i32, i32, i32) {
    %c0_i32 = arith.constant 0 : i32
    %c0_i32_0 = arith.constant 0 : i32
    %c0_i32_1 = arith.constant 0 : i32
    return %arg0, %c0_i32, %c0_i32_0 : i32, i32, i32
  }
  func.func @transform_4(%arg0: i32) -> (i32, i32) {
    %c0_i32 = arith.constant 0 : i32
    %c0_i32_0 = arith.constant 0 : i32
    %c0_i32_1 = arith.constant 0 : i32
    return %c0_i32, %c0_i32_0 : i32, i32
  }
}

</mosaic_0001>

<sc_bundles>
// kernel: kernel.4.cloned.1.call-start
scs
__scs_entry_jumppad:
0x0: {  	(pc) =	sbr.rel $0x88, $3  }
0x1: {  	(tag) =	ssettag $0x0;
	lr =	simm.s32 $0x1  }
0x2: {  	[smem:$0x3F9F] =	sst lr;
	_ =	strace $0xD0000000  }
0x3: {  	_ = 	snop  }
0x4: {  	_ = 	snop  }
0x5: {  	_ = 	snop  }
0x6: {  	_ = 	snop  }
0x7: {  	_ = 	snop  }
__scs_overlays_trampoline_lowered:
0x8: {  	[smem:$0x3FAE] =	sst s0  }
0x9: {  	[smem:$0x3FAF] =	sst s1  }
0xa: {  	[smem:$0x3FB0] =	sst s2  }
0xb: {  	[smem:$0x3FB1] =	sst s3  }
0xc: {  	[smem:$0x3FB2] =	sst s4  }
0xd: {  	[smem:$0x3FB3] =	sst s5  }
0xe: {  	[smem:$0x3FB4] =	sst s6  }
0xf: {  	[smem:$0x3FB5] =	sst s7  }
0x10: {  	[smem:$0x3FB6] =	sst s8  }
0x11: {  	[smem:$0x3FB7] =	sst s9;
	s0 =	simm.s32 @!p0 $0x0  }
0x12: {  	s1 =	sld [smem:$0x3F9D];
	s0 =	simm.s32 @p0 $0x1  }
0x13: {  	[smem:$0x3FB8] =	sst s0;
	s0 =	simm.s32 @!p1 $0x0  }
0x14: {  	s2 =	sld [smem:$0x3F9C];
	s0 =	simm.s32 @p1 $0x1  }
0x15: {  	[smem:$0x3FB9] =	sst s0;
	s0 =	simm.s32 @!p2 $0x0  }
0x16: {  	s3 =	sld [smem:$0x3FDB];
	s0 =	simm.s32 @p2 $0x1  }
0x17: {  	s4 =	simm.s32 $0x1BF5;
	[smem:$0x3FBB] =	sst s0  }
0x18: {  	s0 =	sld [smem:$0x3F9E];
	_ =	swait.ge [sflag:s4], $0x0  }
0x19: {  	s7 =	sld [smem:$0x3F9F]  }
0x1a: {  	s8 =	sadd.s32 $0xFFFFE003, lr  }
0x1b: {  	s9 =	sadd.s32 $0xFFFFFEF7, lr;
	s5 =	simm.s32 $0xFFFFFFFF;
	p2 =	slt.u32 s8, $0xFFFFF086  }
0x1c: {  	p1 =	slt.u32 s9, $0xF7A;
	s5 =	simm.s32 @!p2 $0x0  }
0x1d: {  	s5 =	simm.s32 @p1 $0x1;
	p0 =	seq.s32 s7, s2  }
0x1e: {  	s7 =	smul.u32 @!p0 $0xF7A, s2;
	p2 =	seq.s32 @!p0 s5, $0x0  }
0x1f: {  	s9 =	smul.u32 $0xF7A, s1;
	s8 =	simm.s32 @!p0 $0x1BF5;
	p2 =	por !p2, p0  }
0x20: {  	[sflag:s8] =	ssyncset.s32 @!p0 $0xFFFFF086;
	s6 =	sadd.s32 @!p0 s3, s7;
	s7 =	simm.s32 @!p0 $0x108  }
0x21: {  	s3 =	sadd.s32 s3, s9;
	s6 =	sadd.s32 @!p0 $0x88, s6;
	s7 =	simm.s32 @p2 $0x1082  }
0x22: {  	[simem:s7], [sflag:s8] =	dma.local @!p0 [hbm:s6], $0xF7A  }
0x23: {  	s9 =	sor.u32 $0xD0000000, s2;
	s6 =	simm.s32 $0x108;
	_ =	swait.ge @!p0 [sflag:s8], $0x0  }
0x24: {  	s3 =	sadd.s32 $0x88, s3;
	s6 =	simm.s32 @!p1 $0x1082;
	[sflag:s4] =	ssyncset.s32 $0xFFFFF086  }
0x25: {  	[simem:s6], [sflag:s4] =	dma.local [hbm:s3], $0xF7A  }
0x26: {  	[smem:$0x3F9F] =	sst s1;
	(tag) =	ssettag s2;
	_ =	strace s9  }
0x27: {  	s1 =	sld [smem:$0x3FAF]  }
0x28: {  	s2 =	sld [smem:$0x3FB0]  }
0x29: {  	s4 =	sld [smem:$0x3FB2]  }
0x2a: {  	p0 =	seq.s32 s5, $0x0;
	s5 =	sld [smem:$0x3FB3]  }
0x2b: {  	s6 =	sld [smem:$0x3FB4]  }
0x2c: {  	s7 =	sld [smem:$0x3FB5]  }
0x2d: {  	s3 =	simm.s32 $0x108;
	s8 =	sld [smem:$0x3FB6]  }
0x2e: {  	s3 =	simm.s32 @!p0 $0x1082;
	s9 =	sld [smem:$0x3FB7]  }
0x2f: {  	lr =	sadd.s32 s0, s3;
	s0 =	sld [smem:$0x3FAE]  }
0x30: {  	s3 =	sld [smem:$0x3FB1]  }
0x31: {  	[smem:$0x3FBA] =	sst s10  }
0x32: {  	s10 =	sld [smem:$0x3FB8];
	_ =	sdelay $0x3  }
0x33: {  	p0 =	seq.s32 s10, $0x1;
	s10 =	sld [smem:$0x3FBA];
	_ =	sdelay $0x3  }
0x34: {  	[smem:$0x3FBA] =	sst s10  }
0x35: {  	s10 =	sld [smem:$0x3FB9];
	_ =	sdelay $0x3  }
0x36: {  	p1 =	seq.s32 s10, $0x1;
	s10 =	sld [smem:$0x3FBA];
	_ =	sdelay $0x3  }
0x37: {  	[smem:$0x3FBA] =	sst s10  }
0x38: {  	s10 =	sld [smem:$0x3FBB]  }
0x39: {  	_ = 	snop;
	(pc) =	sbr.ind lr, $3  }
0x3a: {  	_ = 	snop  }
0x3b: {  	_ = 	snop  }
0x3c: {  	p2 =	seq.s32 s10, $0x1;
	s10 =	sld [smem:$0x3FBA]  }
0x3d: {  	_ =	shalt  }
0x3e: {  	_ =	shalt  }
0x3f: {  	_ =	shalt  }
0x40: {  	_ =	shalt  }
0x41: {  	_ =	shalt  }
0x42: {  	_ =	shalt  }
0x43: {  	_ =	shalt  }
0x44: {  	_ =	shalt  }
0x45: {  	_ =	shalt  }
0x46: {  	_ =	shalt  }
0x47: {  	_ =	shalt  }
0x48: {  	_ =	shalt  }
0x49: {  	_ =	shalt  }
0x4a: {  	_ =	shalt  }
0x4b: {  	_ =	shalt  }
0x4c: {  	_ =	shalt  }
0x4d: {  	_ =	shalt  }
0x4e: {  	_ =	shalt  }
0x4f: {  	_ =	shalt  }
0x50: {  	_ =	shalt  }
0x51: {  	_ =	shalt  }
0x52: {  	_ =	shalt  }
0x53: {  	_ =	shalt  }
0x54: {  	_ =	shalt  }
0x55: {  	_ =	shalt  }
0x56: {  	_ =	shalt  }
0x57: {  	_ =	shalt  }
0x58: {  	_ =	shalt  }
0x59: {  	_ =	shalt  }
0x5a: {  	_ =	shalt  }
0x5b: {  	_ =	shalt  }
0x5c: {  	_ =	shalt  }
0x5d: {  	_ =	shalt  }
0x5e: {  	_ =	shalt  }
0x5f: {  	_ =	shalt  }
0x60: {  	_ =	shalt  }
0x61: {  	_ =	shalt  }
0x62: {  	_ =	shalt  }
0x63: {  	_ =	shalt  }
0x64: {  	_ =	shalt  }
0x65: {  	_ =	shalt  }
0x66: {  	_ =	shalt  }
0x67: {  	_ =	shalt  }
0x68: {  	_ =	shalt  }
0x69: {  	_ =	shalt  }
0x6a: {  	_ =	shalt  }
0x6b: {  	_ =	shalt  }
0x6c: {  	_ =	shalt  }
0x6d: {  	_ =	shalt  }
0x6e: {  	_ =	shalt  }
0x6f: {  	_ =	shalt  }
0x70: {  	_ =	shalt  }
0x71: {  	_ =	shalt  }
0x72: {  	_ =	shalt  }
0x73: {  	_ =	shalt  }
0x74: {  	_ =	shalt  }
0x75: {  	_ =	shalt  }
0x76: {  	_ =	shalt  }
0x77: {  	_ =	shalt  }
0x78: {  	_ =	shalt  }
0x79: {  	_ =	shalt  }
0x7a: {  	_ =	shalt  }
0x7b: {  	_ =	shalt  }
0x7c: {  	_ =	shalt  }
0x7d: {  	_ =	shalt  }
0x7e: {  	_ =	shalt  }
0x7f: {  	_ =	shalt  }
0x80: {  	_ =	shalt  }
0x81: {  	_ =	shalt  }
0x82: {  	_ =	shalt  }
0x83: {  	_ =	shalt  }
0x84: {  	_ =	shalt  }
0x85: {  	_ =	shalt  }
0x86: {  	_ =	shalt  }
0x87: {  	_ =	shalt  }
.Lfunc_end0:
.L_simem_size_0:
called_computation.1_lowered:
.L_overlay_start_0:
0x88: {  	s2 =	sld [smem:$0x3FD9]  }
0x89: {  	s3 =	sld [smem:$0x3FFE];
	_ =	sdelay $0x1  }
0x8a: {  	s1 =	srdreg.scid  }
0x8b: {  	s0 =	sand.u32 $0x1, s1  }
0x8c: {  	s14 =	sshll.u32 s0, $0xA;
	s2 =	sadd.s32 s3, s2  }
0x8d: {  	s2 =	sadd.s32 s2, s14  }
0x8e: {  	[smem:$0x3FC6] =	sst s2  }
0x8f: {  	_ = 	snop  }
0x90: {  	s2 =	sld [smem:$0x3FD0];
	_ =	sdelay $0x2  }
0x91: {  	s15 =	simm.s32 $0xA;
	s4 =	simm.s32 $0x10  }
0x92: {  	[smem:s4], [sflag:s15] =	dma.local [hbm:s2], $0x1  }
0x93: {  	_ =	swait.eq [sflag:s15], $0x1  }
0x94: {  	[sflag:s15] =	ssyncset.done $0x0  }
0x95: {  	s16 =	sld [smem:$0x10];
	[sflag:s15] =	ssyncadd.s32 $0xFFFFFFFF  }
0x96: {  	s17 =	sld [smem:$0x12];
	(tm) =	ssettm $0x1  }
0x97: {  	s18 =	sld [smem:$0x3FFB];
	_ =	sdelay $0x3  }
0x98: {  	_ =	strace s18  }
0x99: {  	s4 =	sld [smem:$0x3FFC];
	_ =	sdelay $0x3  }
0x9a: {  	_ =	strace s4  }
0x9b: {  	s4 =	sld [smem:$0x3FFD];
	_ =	sdelay $0x3  }
0x9c: {  	_ =	strace s4  }
0x9d: {  	_ =	strace $0x8FFFFFFF  }
0x9e: {  	s19 =	sld [smem:$0x3FDB];
	_ =	sdelay $0x1  }
0x9f: {  	s5 =	simm.s32 $_scs_section_size  }
0xa0: {  	s6 =	simm.s32 $_size__tile_overlayer_lowered;
	s7 =	simm.s32 $_tile_overlayer_lowered  }
0xa1: {  	s22 =	simm.s32 $0x1BFF;
	s21 =	sshll.u32 s7, $0x1;
	s4 =	sadd.s32 s5, s19  }
0xa2: {  	s8 =	simm.s32 $0x0;
	s20 =	sshll.u32 s6, $0x1;
	s6 =	sadd.s32 s21, s4  }
0xa3: {  	[timem:s8], [sflag:s22] =	dma.local [hbm:s6], s20  }
0xa4: {  	_ =	swait.ge [sflag:s22], s20  }
0xa5: {  	s5 =	ssub.s32 $0x0, s20;
	[sflag:s22] =	ssyncset.done $0x0  }
0xa6: {  	[sflag:s22] =	ssyncadd.s32 s5;
	_ =	sdelay $0x1  }
0xa7: {  	s23 =	simm.s32 $0x1B8B  }
0xa8: {  	_ =	swait.ge [sflag:s23], $0x1  }
0xa9: {  	[sflag:s23] =	ssyncset.done $0x0  }
0xaa: {  	s25 =	simm.s32 $0x1B8E;
	s24 =	sld [smem:$0x3FFE];
	[sflag:s23] =	ssyncadd.s32 $0xFFFFFFFF  }
0xab: {  	s26 =	simm.s32 $execute0_lowered;
	[smem:$0x3FD2] =	sst s25  }
0xac: {  	s6 =	sshll.u32 s26, $0x1;
	_ =	strace $0x80000046;
	[dreg:$0x1] =	wrdreg $0xFFFFFFFF  }
0xad: {  	s28 =	simm.s32 $_size_execute0_lowered;
	s4 =	sadd.s32 s4, s6;
	[dreg:$0x0] =	wrdreg $0x0  }
0xae: {  	s6 =	sshll.u32 s28, $0x1;
	[dreg:$0x2] =	wrdreg s4  }
0xaf: {  	[dreg:$0x3] =	wrdreg s6  }
0xb0: {  	[dreg:$0x4] =	wrdreg $0xC0  }
0xb1: {  	_ =	task [dreg:s8], $0x5FFFF  }
0xb2: {  	[dreg:$0x1] =	wrdreg $0xFFFFFFFF  }
0xb3: {  	[dreg:$0x0] =	wrdreg $0x60  }
0xb4: {  	[dreg:$0x2] =	wrdreg s24  }
0xb5: {  	[dreg:$0x3] =	wrdreg s17  }
0xb6: {  	[dreg:$0x4] =	wrdreg s16  }
0xb7: {  	[dreg:$0x5] =	wrdreg $0x9  }
0xb8: {  	_ =	task.clear_ibuf [dreg:s8], $0x6FFFF;
	_ =	strace $0x90000046  }
0xb9: {  	s29 =	simm.s32 $0x9;
	_ =	strace $0x80000048  }
0xba: {  	_ =	swait.ge [sflag:s29], $0x1  }
0xbb: {  	[sflag:s29] =	ssyncadd.s32 $0xFFFFFFFF  }
0xbc: {  	_ =	strace $0x90000048  }
0xbd: {  	_ =	sfence  }
0xbe: {  	s30 =	sld [smem:$0x0];
	_ =	sdelay $0x2  }
0xbf: {  	s31 =	sshll.u32 s1, $0xD;
	s1 =	sshrl.u32 s1, $0x2  }
0xc0: {  	s3 =	sand.u32 $0x4000, s31;
	s1 =	sadd.s32 s1, s30  }
0xc1: {  	s0 =	sor.u32 s3, s0;
	s1 =	sshll.u32 s1, $0x11  }
0xc2: {  	s0 =	sor.u32 s1, s0  }
0xc3: {  	s0 =	sadd.s32 $0x8F2B, s0  }
0xc4: {  	[sflag:s0] =	ssyncadd.remote.s32 $0x1  }
0xc5: {  	_ =	sfence.sel $0xFFFF  }
0xc6: {  	[dreg:$0x0] =	wrdreg $0xFFFFFFFF;
	(pc) =	sbr.abs _section_cstart, $3  }
0xc7: {  	[dreg:$0x1] =	wrdreg $0xFFFFFFFF  }
0xc8: {  	_ =	task.clear_ibuf [dreg:s8], $0x2FFFF;
	_ =	strace $0x9FFFFFFF  }
0xc9: {  	(tm) =	ssettm $0x7FFFFFFF  }
tec
execute0_lowered:
.L_overlay_start_1:
0x0: {  	(tag) =	ssettag $0x1  }
0x1: {  	s5 =	rddreg [dreg:$0x0];
	s1 =	srdreg.scid  }
0x2: {  	s21 =	rddreg [dreg:$0x1];
	s0 =	stileid.u32;
	s23 =	sand.u32 $0x1, s1  }
0x3: {  	s22 =	rddreg [dreg:$0x2];
	s3 =	sshll.u32 s0, $0xE;
	s4 =	sshll.u32 s23, $0xD  }
0x4: {  	s2 =	simm.s32 $0x0;
	s1 =	rddreg [dreg:$0x3];
	s24 =	sor.u32 s4, s3  }
0x5: {  	[smem:$0x7FF] =	sst s2;
	s3 =	sshrl.u32 s24, $0x3  }
0x6: {  	_ =	strace $0x80000047;
	s4 =	sadd.s32 s21, s3;
	s3 =	simm.s32 $0x2  }
0x7: {  	[tilespmem:s2], [sflag:$0x2] =	stream.linear.gather [hbm4b:s4+s2], $0x400, $0x38;
	[tilespmem:$0x10400] =	vst v63  }
0x8: {  	_ =	swait.ge [sflag:s3], $0x400  }
0x9: {  	s6 =	simm.s32 $0x400;
	[sflag:s3] =	ssyncset.done $0x0  }
0xa: {  	s7 =	simm.s32 $0x1;
	s5 =	sadd.s32 $0xA00, s5;
	[sflag:s3] =	ssyncadd.s32 $0xFFFFFC00  }
0xb: {  	[tilespmem:s6], [sflag:$0x1] =	stream.indirect.gather [hbm4b:s5+s6], $0x40, s2, s6, $0xb8;
	[tilespmem:$0x10400] =	vst v63  }
0xc: {  	_ =	swait.ge [sflag:s7], $0x10000  }
0xd: {  	s8 =	sshll.u32 s24, $0x3;
	[sflag:s7] =	ssyncset.done $0x0  }
0xe: {  	s8 =	sadd.s32 s22, s8;
	[sflag:s7] =	ssyncadd.s32 $0xFFFF0000  }
0xf: {  	[hbm4b:s8+s2] =	stream.linear.scatter [tilespmem:s6], [sflag:$0x2], $0x10000, $0x38;
	[tilespmem:$0x10400] =	vst v63  }
0x10: {  	s10 =	sor.u32 $0x400, s24;
	_ =	swait.ge [sflag:s3], $0x10000  }
0x11: {  	s9 =	sshrl.u32 s10, $0x3;
	[sflag:s3] =	ssyncset.done $0x0  }
0x12: {  	s9 =	sadd.s32 s21, s9;
	[sflag:s3] =	ssyncadd.s32 $0xFFFF0000  }
0x13: {  	[tilespmem:s2], [sflag:$0x2] =	stream.linear.gather [hbm4b:s9+s2], $0x400, $0x38;
	[tilespmem:$0x10400] =	vst v63  }
0x14: {  	_ =	swait.ge [sflag:s3], $0x400  }
0x15: {  	[sflag:s3] =	ssyncset.done $0x0  }
0x16: {  	[sflag:s3] =	ssyncadd.s32 $0xFFFFFC00  }
0x17: {  	[tilespmem:s6], [sflag:$0x1] =	stream.indirect.gather [hbm4b:s5+s6], $0x40, s2, s6, $0xb8;
	[tilespmem:$0x10400] =	vst v63  }
0x18: {  	_ =	swait.ge [sflag:s7], $0x10000  }
0x19: {  	s10 =	sshll.u32 s10, $0x3;
	[sflag:s7] =	ssyncset.done $0x0  }
0x1a: {  	s10 =	sadd.s32 s22, s10;
	[sflag:s7] =	ssyncadd.s32 $0xFFFF0000  }
0x1b: {  	[hbm4b:s10+s2] =	stream.linear.scatter [tilespmem:s6], [sflag:$0x2], $0x10000, $0x38;
	[tilespmem:$0x10400] =	vst v63  }
0x1c: {  	s12 =	sor.u32 $0x800, s24;
	_ =	swait.ge [sflag:s3], $0x10000  }
0x1d: {  	s11 =	sshrl.u32 s12, $0x3;
	[sflag:s3] =	ssyncset.done $0x0  }
0x1e: {  	s11 =	sadd.s32 s21, s11;
	[sflag:s3] =	ssyncadd.s32 $0xFFFF0000  }
0x1f: {  	[tilespmem:s2], [sflag:$0x2] =	stream.linear.gather [hbm4b:s11+s2], $0x400, $0x38;
	[tilespmem:$0x10400] =	vst v63  }
0x20: {  	_ =	swait.ge [sflag:s3], $0x400  }
0x21: {  	[sflag:s3] =	ssyncset.done $0x0  }
0x22: {  	[sflag:s3] =	ssyncadd.s32 $0xFFFFFC00  }
0x23: {  	[tilespmem:s6], [sflag:$0x1] =	stream.indirect.gather [hbm4b:s5+s6], $0x40, s2, s6, $0xb8;
	[tilespmem:$0x10400] =	vst v63  }
0x24: {  	_ =	swait.ge [sflag:s7], $0x10000  }
0x25: {  	s12 =	sshll.u32 s12, $0x3;
	[sflag:s7] =	ssyncset.done $0x0  }
0x26: {  	s12 =	sadd.s32 s22, s12;
	[sflag:s7] =	ssyncadd.s32 $0xFFFF0000  }
0x27: {  	[hbm4b:s12+s2] =	stream.linear.scatter [tilespmem:s6], [sflag:$0x2], $0x10000, $0x38;
	[tilespmem:$0x10400] =	vst v63  }
0x28: {  	s14 =	sor.u32 $0xC00, s24;
	_ =	swait.ge [sflag:s3], $0x10000  }
0x29: {  	s13 =	sshrl.u32 s14, $0x3;
	[sflag:s3] =	ssyncset.done $0x0  }
0x2a: {  	s13 =	sadd.s32 s21, s13;
	[sflag:s3] =	ssyncadd.s32 $0xFFFF0000  }
0x2b: {  	[tilespmem:s2], [sflag:$0x2] =	stream.linear.gather [hbm4b:s13+s2], $0x400, $0x38;
	[tilespmem:$0x10400] =	vst v63  }
0x2c: {  	_ =	swait.ge [sflag:s3], $0x400  }
0x2d: {  	[sflag:s3] =	ssyncset.done $0x0  }
0x2e: {  	[sflag:s3] =	ssyncadd.s32 $0xFFFFFC00  }
0x2f: {  	[tilespmem:s6], [sflag:$0x1] =	stream.indirect.gather [hbm4b:s5+s6], $0x40, s2, s6, $0xb8;
	[tilespmem:$0x10400] =	vst v63  }
0x30: {  	_ =	swait.ge [sflag:s7], $0x10000  }
0x31: {  	s14 =	sshll.u32 s14, $0x3;
	[sflag:s7] =	ssyncset.done $0x0  }
0x32: {  	s14 =	sadd.s32 s22, s14;
	[sflag:s7] =	ssyncadd.s32 $0xFFFF0000  }
0x33: {  	[hbm4b:s14+s2] =	stream.linear.scatter [tilespmem:s6], [sflag:$0x2], $0x10000, $0x38;
	[tilespmem:$0x10400] =	vst v63  }
0x34: {  	s16 =	sor.u32 $0x1000, s24;
	_ =	swait.ge [sflag:s3], $0x10000  }
0x35: {  	s15 =	sshrl.u32 s16, $0x3;
	[sflag:s3] =	ssyncset.done $0x0  }
0x36: {  	s15 =	sadd.s32 s21, s15;
	[sflag:s3] =	ssyncadd.s32 $0xFFFF0000  }
0x37: {  	[tilespmem:s2], [sflag:$0x2] =	stream.linear.gather [hbm4b:s15+s2], $0x400, $0x38;
	[tilespmem:$0x10400] =	vst v63  }
0x38: {  	_ =	swait.ge [sflag:s3], $0x400  }
0x39: {  	[sflag:s3] =	ssyncset.done $0x0  }
0x3a: {  	[sflag:s3] =	ssyncadd.s32 $0xFFFFFC00  }
0x3b: {  	[tilespmem:s6], [sflag:$0x1] =	stream.indirect.gather [hbm4b:s5+s6], $0x40, s2, s6, $0xb8;
	[tilespmem:$0x10400] =	vst v63  }
0x3c: {  	_ =	swait.ge [sflag:s7], $0x10000  }
0x3d: {  	s16 =	sshll.u32 s16, $0x3;
	[sflag:s7] =	ssyncset.done $0x0  }
0x3e: {  	s16 =	sadd.s32 s22, s16;
	[sflag:s7] =	ssyncadd.s32 $0xFFFF0000  }
0x3f: {  	[hbm4b:s16+s2] =	stream.linear.scatter [tilespmem:s6], [sflag:$0x2], $0x10000, $0x38;
	[tilespmem:$0x10400] =	vst v63  }
0x40: {  	s18 =	sor.u32 $0x1400, s24;
	_ =	swait.ge [sflag:s3], $0x10000  }
0x41: {  	s17 =	sshrl.u32 s18, $0x3;
	[sflag:s3] =	ssyncset.done $0x0  }
0x42: {  	s17 =	sadd.s32 s21, s17;
	[sflag:s3] =	ssyncadd.s32 $0xFFFF0000  }
0x43: {  	[tilespmem:s2], [sflag:$0x2] =	stream.linear.gather [hbm4b:s17+s2], $0x400, $0x38;
	[tilespmem:$0x10400] =	vst v63  }
0x44: {  	_ =	swait.ge [sflag:s3], $0x400  }
0x45: {  	[sflag:s3] =	ssyncset.done $0x0  }
0x46: {  	[sflag:s3] =	ssyncadd.s32 $0xFFFFFC00  }
0x47: {  	[tilespmem:s6], [sflag:$0x1] =	stream.indirect.gather [hbm4b:s5+s6], $0x40, s2, s6, $0xb8;
	[tilespmem:$0x10400] =	vst v63  }
0x48: {  	_ =	swait.ge [sflag:s7], $0x10000  }
0x49: {  	s18 =	sshll.u32 s18, $0x3;
	[sflag:s7] =	ssyncset.done $0x0  }
0x4a: {  	s18 =	sadd.s32 s22, s18;
	[sflag:s7] =	ssyncadd.s32 $0xFFFF0000  }
0x4b: {  	[hbm4b:s18+s2] =	stream.linear.scatter [tilespmem:s6], [sflag:$0x2], $0x10000, $0x38;
	[tilespmem:$0x10400] =	vst v63  }
0x4c: {  	s20 =	sor.u32 $0x1800, s24;
	_ =	swait.ge [sflag:s3], $0x10000  }
0x4d: {  	s19 =	sshrl.u32 s20, $0x3;
	[sflag:s3] =	ssyncset.done $0x0  }
0x4e: {  	s19 =	sadd.s32 s21, s19;
	[sflag:s3] =	ssyncadd.s32 $0xFFFF0000  }
0x4f: {  	[tilespmem:s2], [sflag:$0x2] =	stream.linear.gather [hbm4b:s19+s2], $0x400, $0x38;
	[tilespmem:$0x10400] =	vst v63  }
0x50: {  	_ =	swait.ge [sflag:s3], $0x400  }
0x51: {  	[sflag:s3] =	ssyncset.done $0x0  }
0x52: {  	[sflag:s3] =	ssyncadd.s32 $0xFFFFFC00  }
0x53: {  	[tilespmem:s6], [sflag:$0x1] =	stream.indirect.gather [hbm4b:s5+s6], $0x40, s2, s6, $0xb8;
	[tilespmem:$0x10400] =	vst v63  }
0x54: {  	_ =	swait.ge [sflag:s7], $0x10000  }
0x55: {  	s20 =	sshll.u32 s20, $0x3;
	[sflag:s7] =	ssyncset.done $0x0  }
0x56: {  	s20 =	sadd.s32 s22, s20;
	[sflag:s7] =	ssyncadd.s32 $0xFFFF0000  }
0x57: {  	[hbm4b:s20+s2] =	stream.linear.scatter [tilespmem:s6], [sflag:$0x2], $0x10000, $0x38;
	[tilespmem:$0x10400] =	vst v63  }
0x58: {  	s24 =	sor.u32 $0x1C00, s24;
	_ =	swait.ge [sflag:s3], $0x10000  }
0x59: {  	s25 =	sshrl.u32 s24, $0x3;
	[sflag:s3] =	ssyncset.done $0x0  }
0x5a: {  	s23 =	ssub.s32 $0x2, s23;
	s21 =	sadd.s32 s21, s25;
	[sflag:s3] =	ssyncadd.s32 $0xFFFF0000  }
0x5b: {  	[tilespmem:s2], [sflag:$0x2] =	stream.linear.gather [hbm4b:s21+s2], $0x400, $0x38;
	[tilespmem:$0x10400] =	vst v63  }
0x5c: {  	s31 =	sshrl.u32 s23, $0x1;
	_ =	swait.ge [sflag:s3], $0x400  }
0x5d: {  	s23 =	ssub.s32 s23, s31;
	[sflag:s3] =	ssyncset.done $0x0  }
0x5e: {  	s23 =	smax.u32 s23, $0x1;
	[sflag:s3] =	ssyncadd.s32 $0xFFFFFC00  }
0x5f: {  	[tilespmem:s6], [sflag:$0x1] =	stream.indirect.gather [hbm4b:s5+s6], $0x40, s2, s6, $0xb8;
	[tilespmem:$0x10400] =	vst v63  }
0x60: {  	p0 =	sne.s32 s23, $0x1;
	_ =	swait.ge [sflag:s7], $0x10000  }
.Ltmp0:
0x61: {  	s24 =	sshll.u32 s24, $0x3;
	[sflag:s7] =	ssyncset.done $0x0;
	(pc) =	sbr.rel @!p0 .LBB2_2-.Ltmp0, $4  }
0x62: {  	s22 =	sadd.s32 s22, s24;
	[sflag:s7] =	ssyncadd.s32 $0xFFFF0000  }
0x63: {  	[hbm4b:s22+s2] =	stream.linear.scatter [tilespmem:s6], [sflag:$0x2], $0x10000, $0x38;
	[tilespmem:$0x10400] =	vst v63  }
0x64: {  	_ =	swait.ge [sflag:s3], $0x10000  }
0x65: {  	s23 =	sadd.s32 $0xFFFFFFFF, s23;
	[sflag:s3] =	ssyncset.done $0x0  }
.LBB2_1:
0x66: {  	p0 =	sne.s32 s23, $0x1;
	s23 =	sadd.s32 $0xFFFFFFFF, s23;
	[sflag:s3] =	ssyncadd.s32 $0xFFFF0000  }
0x67: {  	[tilespmem:s2], [sflag:$0x2] =	stream.linear.gather [hbm4b:s4+s2], $0x400, $0x38;
	[tilespmem:$0x10400] =	vst v63  }
0x68: {  	_ =	swait.ge [sflag:s3], $0x400  }
0x69: {  	[sflag:s3] =	ssyncset.done $0x0  }
0x6a: {  	[sflag:s3] =	ssyncadd.s32 $0xFFFFFC00  }
0x6b: {  	[tilespmem:s6], [sflag:$0x1] =	stream.indirect.gather [hbm4b:s5+s6], $0x40, s2, s6, $0xb8;
	[tilespmem:$0x10400] =	vst v63  }
0x6c: {  	_ =	swait.ge [sflag:s7], $0x10000  }
0x6d: {  	[sflag:s7] =	ssyncset.done $0x0  }
0x6e: {  	[sflag:s7] =	ssyncadd.s32 $0xFFFF0000  }
0x6f: {  	[hbm4b:s8+s2] =	stream.linear.scatter [tilespmem:s6], [sflag:$0x2], $0x10000, $0x38;
	[tilespmem:$0x10400] =	vst v63  }
0x70: {  	_ =	swait.ge [sflag:s3], $0x10000  }
0x71: {  	[sflag:s3] =	ssyncset.done $0x0  }
0x72: {  	[sflag:s3] =	ssyncadd.s32 $0xFFFF0000  }
0x73: {  	[tilespmem:s2], [sflag:$0x2] =	stream.linear.gather [hbm4b:s9+s2], $0x400, $0x38;
	[tilespmem:$0x10400] =	vst v63  }
0x74: {  	_ =	swait.ge [sflag:s3], $0x400  }
0x75: {  	[sflag:s3] =	ssyncset.done $0x0  }
0x76: {  	[sflag:s3] =	ssyncadd.s32 $0xFFFFFC00  }
0x77: {  	[tilespmem:s6], [sflag:$0x1] =	stream.indirect.gather [hbm4b:s5+s6], $0x40, s2, s6, $0xb8;
	[tilespmem:$0x10400] =	vst v63  }
0x78: {  	_ =	swait.ge [sflag:s7], $0x10000  }
0x79: {  	[sflag:s7] =	ssyncset.done $0x0  }
0x7a: {  	[sflag:s7] =	ssyncadd.s32 $0xFFFF0000  }
0x7b: {  	[hbm4b:s10+s2] =	stream.linear.scatter [tilespmem:s6], [sflag:$0x2], $0x10000, $0x38;
	[tilespmem:$0x10400] =	vst v63  }
0x7c: {  	_ =	swait.ge [sflag:s3], $0x10000  }
0x7d: {  	[sflag:s3] =	ssyncset.done $0x0  }
0x7e: {  	[sflag:s3] =	ssyncadd.s32 $0xFFFF0000  }
0x7f: {  	[tilespmem:s2], [sflag:$0x2] =	stream.linear.gather [hbm4b:s11+s2], $0x400, $0x38;
	[tilespmem:$0x10400] =	vst v63  }
0x80: {  	_ =	swait.ge [sflag:s3], $0x400  }
0x81: {  	[sflag:s3] =	ssyncset.done $0x0  }
0x82: {  	[sflag:s3] =	ssyncadd.s32 $0xFFFFFC00  }
0x83: {  	[tilespmem:s6], [sflag:$0x1] =	stream.indirect.gather [hbm4b:s5+s6], $0x40, s2, s6, $0xb8;
	[tilespmem:$0x10400] =	vst v63  }
0x84: {  	_ =	swait.ge [sflag:s7], $0x10000  }
0x85: {  	[sflag:s7] =	ssyncset.done $0x0  }
0x86: {  	[sflag:s7] =	ssyncadd.s32 $0xFFFF0000  }
0x87: {  	[hbm4b:s12+s2] =	stream.linear.scatter [tilespmem:s6], [sflag:$0x2], $0x10000, $0x38;
	[tilespmem:$0x10400] =	vst v63  }
0x88: {  	_ =	swait.ge [sflag:s3], $0x10000  }
0x89: {  	[sflag:s3] =	ssyncset.done $0x0  }
0x8a: {  	[sflag:s3] =	ssyncadd.s32 $0xFFFF0000  }
0x8b: {  	[tilespmem:s2], [sflag:$0x2] =	stream.linear.gather [hbm4b:s13+s2], $0x400, $0x38;
	[tilespmem:$0x10400] =	vst v63  }
0x8c: {  	_ =	swait.ge [sflag:s3], $0x400  }
0x8d: {  	[sflag:s3] =	ssyncset.done $0x0  }
0x8e: {  	[sflag:s3] =	ssyncadd.s32 $0xFFFFFC00  }
0x8f: {  	[tilespmem:s6], [sflag:$0x1] =	stream.indirect.gather [hbm4b:s5+s6], $0x40, s2, s6, $0xb8;
	[tilespmem:$0x10400] =	vst v63  }
0x90: {  	_ =	swait.ge [sflag:s7], $0x10000  }
0x91: {  	[sflag:s7] =	ssyncset.done $0x0  }
0x92: {  	[sflag:s7] =	ssyncadd.s32 $0xFFFF0000  }
0x93: {  	[hbm4b:s14+s2] =	stream.linear.scatter [tilespmem:s6], [sflag:$0x2], $0x10000, $0x38;
	[tilespmem:$0x10400] =	vst v63  }
0x94: {  	_ =	swait.ge [sflag:s3], $0x10000  }
0x95: {  	[sflag:s3] =	ssyncset.done $0x0  }
0x96: {  	[sflag:s3] =	ssyncadd.s32 $0xFFFF0000  }
0x97: {  	[tilespmem:s2], [sflag:$0x2] =	stream.linear.gather [hbm4b:s15+s2], $0x400, $0x38;
	[tilespmem:$0x10400] =	vst v63  }
0x98: {  	_ =	swait.ge [sflag:s3], $0x400  }
0x99: {  	[sflag:s3] =	ssyncset.done $0x0  }
0x9a: {  	[sflag:s3] =	ssyncadd.s32 $0xFFFFFC00  }
0x9b: {  	[tilespmem:s6], [sflag:$0x1] =	stream.indirect.gather [hbm4b:s5+s6], $0x40, s2, s6, $0xb8;
	[tilespmem:$0x10400] =	vst v63  }
0x9c: {  	_ =	swait.ge [sflag:s7], $0x10000  }
0x9d: {  	[sflag:s7] =	ssyncset.done $0x0  }
0x9e: {  	[sflag:s7] =	ssyncadd.s32 $0xFFFF0000  }
0x9f: {  	[hbm4b:s16+s2] =	stream.linear.scatter [tilespmem:s6], [sflag:$0x2], $0x10000, $0x38;
	[tilespmem:$0x10400] =	vst v63  }
0xa0: {  	_ =	swait.ge [sflag:s3], $0x10000  }
0xa1: {  	[sflag:s3] =	ssyncset.done $0x0  }
0xa2: {  	[sflag:s3] =	ssyncadd.s32 $0xFFFF0000  }
0xa3: {  	[tilespmem:s2], [sflag:$0x2] =	stream.linear.gather [hbm4b:s17+s2], $0x400, $0x38;
	[tilespmem:$0x10400] =	vst v63  }
0xa4: {  	_ =	swait.ge [sflag:s3], $0x400  }
0xa5: {  	[sflag:s3] =	ssyncset.done $0x0  }
0xa6: {  	[sflag:s3] =	ssyncadd.s32 $0xFFFFFC00  }
0xa7: {  	[tilespmem:s6], [sflag:$0x1] =	stream.indirect.gather [hbm4b:s5+s6], $0x40, s2, s6, $0xb8;
	[tilespmem:$0x10400] =	vst v63  }
0xa8: {  	_ =	swait.ge [sflag:s7], $0x10000  }
0xa9: {  	[sflag:s7] =	ssyncset.done $0x0  }
0xaa: {  	[sflag:s7] =	ssyncadd.s32 $0xFFFF0000  }
0xab: {  	[hbm4b:s18+s2] =	stream.linear.scatter [tilespmem:s6], [sflag:$0x2], $0x10000, $0x38;
	[tilespmem:$0x10400] =	vst v63  }
0xac: {  	_ =	swait.ge [sflag:s3], $0x10000  }
0xad: {  	[sflag:s3] =	ssyncset.done $0x0  }
0xae: {  	[sflag:s3] =	ssyncadd.s32 $0xFFFF0000  }
0xaf: {  	[tilespmem:s2], [sflag:$0x2] =	stream.linear.gather [hbm4b:s19+s2], $0x400, $0x38;
	[tilespmem:$0x10400] =	vst v63  }
0xb0: {  	_ =	swait.ge [sflag:s3], $0x400  }
0xb1: {  	[sflag:s3] =	ssyncset.done $0x0  }
0xb2: {  	[sflag:s3] =	ssyncadd.s32 $0xFFFFFC00  }
0xb3: {  	[tilespmem:s6], [sflag:$0x1] =	stream.indirect.gather [hbm4b:s5+s6], $0x40, s2, s6, $0xb8;
	[tilespmem:$0x10400] =	vst v63  }
0xb4: {  	_ =	swait.ge [sflag:s7], $0x10000  }
0xb5: {  	[sflag:s7] =	ssyncset.done $0x0  }
0xb6: {  	[sflag:s7] =	ssyncadd.s32 $0xFFFF0000  }
0xb7: {  	[hbm4b:s20+s2] =	stream.linear.scatter [tilespmem:s6], [sflag:$0x2], $0x10000, $0x38;
	[tilespmem:$0x10400] =	vst v63  }
0xb8: {  	_ =	swait.ge [sflag:s3], $0x10000  }
0xb9: {  	[sflag:s3] =	ssyncset.done $0x0  }
0xba: {  	[sflag:s3] =	ssyncadd.s32 $0xFFFF0000  }
0xbb: {  	[tilespmem:s2], [sflag:$0x2] =	stream.linear.gather [hbm4b:s21+s2], $0x400, $0x38;
	[tilespmem:$0x10400] =	vst v63  }
0xbc: {  	_ =	swait.ge [sflag:s3], $0x400  }
0xbd: {  	[sflag:s3] =	ssyncset.done $0x0  }
0xbe: {  	[sflag:s3] =	ssyncadd.s32 $0xFFFFFC00  }
0xbf: {  	[tilespmem:s6], [sflag:$0x1] =	stream.indirect.gather [hbm4b:s5+s6], $0x40, s2, s6, $0xb8;
	[tilespmem:$0x10400] =	vst v63  }
0xc0: {  	_ =	swait.ge [sflag:s7], $0x10000  }
.Ltmp1:
0xc1: {  	[sflag:s7] =	ssyncset.done $0x0;
	(pc) =	sbr.rel @p0 .LBB2_1-.Ltmp1, $4  }
0xc2: {  	[sflag:s7] =	ssyncadd.s32 $0xFFFF0000  }
0xc3: {  	[hbm4b:s22+s2] =	stream.linear.scatter [tilespmem:s6], [sflag:$0x2], $0x10000, $0x38;
	[tilespmem:$0x10400] =	vst v63  }
0xc4: {  	_ =	swait.ge [sflag:s3], $0x10000  }
0xc5: {  	[sflag:s3] =	ssyncset.done $0x0  }
.LBB2_2:
0xc6: {  	[sflag:s3] =	ssyncadd.s32 $0xFFFF0000  }
0xc7: {  	_ =	sfence.sel $0x180000  }
0xc8: {  	[bflag:$0x0] =	sbarrier.arrive $0xFFFF  }
0xc9: {  	p0 =	sne.s32 s0, $0x0;
	_ =	strace $0x90000047  }
0xca: {  	s0 =	sadd.s32 @!p0 $0x100000, s1;
	[bflag:$0x2] =	sbarrier.arrive $0xFFFF  }
0xcb: {  	[sflag:s0] =	ssyncadd.tile.s32 @!p0 $0x1;
	_ =	shalt  }
.Lfunc_end2:
_tile_overlayer_lowered:
.L_overlay_start_2:
0xcc: {  	(tag) =	ssettag $0x2  }
0xcd: {  	s0 =	rddreg [dreg:$0x0];
	s2 =	stileid.u32  }
0xce: {  	s1 =	rddreg [dreg:$0x1];
	p0 =	sne.s32 s2, $0x0  }
0xcf: {  	s3 =	rddreg [dreg:$0x2];
	[bflag:$0x3] =	sbarrier.arrive $0xFFFF;
	s2 =	simm.s32 @!p0 $0x1C02  }
0xd0: {  	[timem:s3], [sflag:s2] =	dma.local @!p0 [hbm:s0], s1  }
0xd1: {  	s0 =	simm.s32 @!p0 $0x2  }
0xd2: {  	_ =	swait.ge @!p0 [sflag:s0], s1  }
0xd3: {  	s1 =	ssub.s32 @!p0 $0x0, s1;
	[sflag:s0] =	ssyncset.done @!p0 $0x0  }
0xd4: {  	[sflag:s0] =	ssyncadd.s32 @!p0 s1  }
0xd5: {  	[bflag:$0x3] =	sbarrier.arrive $0xFFFF  }
0xd6: {  	_ =	shalt  }

// kernel: sparse-core-data-format-call.cloned.1.call-start
scs
called_computation_lowered:
.L_overlay_start_0:
0x0: {  	s2 =	sld [smem:$0x3FD9]  }
0x1: {  	s3 =	sld [smem:$0x3FFE];
	_ =	sdelay $0x1  }
0x2: {  	s1 =	srdreg.scid  }
0x3: {  	s0 =	sand.u32 $0x1, s1  }
0x4: {  	s15 =	sshll.u32 s0, $0xA;
	s2 =	sadd.s32 s3, s2  }
0x5: {  	s2 =	sadd.s32 s2, s15  }
0x6: {  	[smem:$0x3FC6] =	sst s2  }
0x7: {  	_ = 	snop  }
0x8: {  	s2 =	sld [smem:$0x3FD0];
	_ =	sdelay $0x2  }
0x9: {  	s16 =	simm.s32 $0xA;
	s4 =	simm.s32 $0x10  }
0xa: {  	[smem:s4], [sflag:s16] =	dma.local [hbm:s2], $0x1  }
0xb: {  	_ =	swait.eq [sflag:s16], $0x1  }
0xc: {  	[sflag:s16] =	ssyncset.done $0x0  }
0xd: {  	[sflag:s16] =	ssyncadd.s32 $0xFFFFFFFF  }
0xe: {  	s17 =	sld [smem:$0x10];
	(tm) =	ssettm $0x1  }
0xf: {  	s18 =	sld [smem:$0x3FFB];
	_ =	sdelay $0x3  }
0x10: {  	_ =	strace s18  }
0x11: {  	s3 =	sld [smem:$0x3FFC];
	_ =	sdelay $0x3  }
0x12: {  	_ =	strace s3  }
0x13: {  	s3 =	sld [smem:$0x3FFD];
	_ =	sdelay $0x3  }
0x14: {  	_ =	strace s3  }
0x15: {  	_ =	strace $0x8FFFFFFF  }
0x16: {  	s19 =	sld [smem:$0x3FDB];
	_ =	sdelay $0x1  }
0x17: {  	s20 =	simm.s32 $_scs_section_size  }
0x18: {  	s5 =	simm.s32 $_size__tile_overlayer_lowered;
	s6 =	simm.s32 $_tile_overlayer_lowered  }
0x19: {  	s23 =	simm.s32 $0x1BFF;
	s22 =	sshll.u32 s6, $0x1;
	s3 =	sadd.s32 s20, s19  }
0x1a: {  	s7 =	simm.s32 $0x0;
	s21 =	sshll.u32 s5, $0x1;
	s5 =	sadd.s32 s22, s3  }
0x1b: {  	[timem:s7], [sflag:s23] =	dma.local [hbm:s5], s21  }
0x1c: {  	_ =	swait.ge [sflag:s23], s21  }
0x1d: {  	s4 =	ssub.s32 $0x0, s21;
	[sflag:s23] =	ssyncset.done $0x0  }
0x1e: {  	[sflag:s23] =	ssyncadd.s32 s4;
	_ =	sdelay $0x1  }
0x1f: {  	s24 =	simm.s32 $0x1B8B  }
0x20: {  	_ =	swait.ge [sflag:s24], $0x1  }
0x21: {  	[sflag:s24] =	ssyncset.done $0x0  }
0x22: {  	s26 =	simm.s32 $0x1B8E;
	s25 =	sld [smem:$0x3FFE];
	[sflag:s24] =	ssyncadd.s32 $0xFFFFFFFF  }
0x23: {  	s27 =	simm.s32 $execute0_lowered;
	[smem:$0x3FD2] =	sst s26  }
0x24: {  	s5 =	sshll.u32 s27, $0x1;
	_ =	strace $0x80000049;
	[dreg:$0x1] =	wrdreg $0xFFFFFFFF  }
0x25: {  	s28 =	simm.s32 $_size_execute0_lowered;
	s3 =	sadd.s32 s3, s5;
	[dreg:$0x0] =	wrdreg $0x0  }
0x26: {  	s5 =	sshll.u32 s28, $0x1;
	[dreg:$0x2] =	wrdreg s3  }
0x27: {  	[dreg:$0x3] =	wrdreg s5  }
0x28: {  	[dreg:$0x4] =	wrdreg $0xC0  }
0x29: {  	_ =	task [dreg:s7], $0x5FFFF  }
0x2a: {  	[dreg:$0x1] =	wrdreg $0xFFFFFFFF  }
0x2b: {  	[dreg:$0x0] =	wrdreg $0x60  }
0x2c: {  	[dreg:$0x2] =	wrdreg s25  }
0x2d: {  	[dreg:$0x3] =	wrdreg s17  }
0x2e: {  	[dreg:$0x4] =	wrdreg $0x9  }
0x2f: {  	_ =	task.clear_ibuf [dreg:s7], $0x5FFFF;
	_ =	strace $0x90000049  }
0x30: {  	s29 =	simm.s32 $0x9;
	_ =	strace $0x8000004B  }
0x31: {  	_ =	swait.ge [sflag:s29], $0x1  }
0x32: {  	[sflag:s29] =	ssyncadd.s32 $0xFFFFFFFF  }
0x33: {  	_ =	strace $0x9000004B  }
0x34: {  	_ =	sfence  }
0x35: {  	s30 =	sld [smem:$0x0];
	_ =	sdelay $0x2  }
0x36: {  	s31 =	sshll.u32 s1, $0xD;
	s1 =	sshrl.u32 s1, $0x2  }
0x37: {  	s3 =	sand.u32 $0x4000, s31;
	s1 =	sadd.s32 s1, s30  }
0x38: {  	s0 =	sor.u32 s3, s0;
	s1 =	sshll.u32 s1, $0x11  }
0x39: {  	s0 =	sor.u32 s1, s0  }
0x3a: {  	s0 =	sadd.s32 $0x8F2B, s0  }
0x3b: {  	[sflag:s0] =	ssyncadd.remote.s32 $0x1  }
0x3c: {  	_ =	sfence.sel $0xFFFF  }
0x3d: {  	[dreg:$0x0] =	wrdreg $0xFFFFFFFF;
	(pc) =	sbr.abs _section_cstart, $3  }
0x3e: {  	[dreg:$0x1] =	wrdreg $0xFFFFFFFF  }
0x3f: {  	_ =	task.clear_ibuf [dreg:s7], $0x2FFFF;
	_ =	strace $0x9FFFFFFF  }
0x40: {  	(tm) =	ssettm $0x7FFFFFFF  }
0x41: {  	_ =	shalt  }
tec
execute0_lowered:
.L_overlay_start_1:
0x0: {  	(tag) =	ssettag $0x1  }
0x1: {  	s0 =	srdreg.scid  }
0x2: {  	s1 =	sshll.u32 s0, $0x4  }
0x3: {  	s4 =	rddreg [dreg:$0x0];
	s0 =	stileid.u32;
	s1 =	sand.u32 $0x10, s1  }
0x4: {  	s2 =	rddreg [dreg:$0x1];
	s7 =	simm.s32 $0x1;
	s1 =	sor.u32 s0, s1  }
0x5: {  	s8 =	simm.s32 $0x2;
	s11 =	simm.s32 $0x0;
	s3 =	sshll.u32 s1, $0x7  }
0x6: {  	s10 =	simm.s32 $0x0;
	s4 =	sadd.s32 $0xA00, s4;
	s6 =	ssub.s32 $0x40000, s3  }
.Ltmp0:
0x7: {  	s1 =	rddreg [dreg:$0x2];
	s5 =	sand.u32 $0xF80, s6;
	(pc) =	sbr.rel .LBB1_1-.Ltmp0, $4  }
0x8: {  	_ =	strace $0x8000004A;
	s9 =	smov.u32 s3;
	p0 =	sne.s32 s5, $0x0  }
0x9: {  	s6 =	sshrl.u32 s6, $0xC;
	s5 =	simm.s32 $0x1;
	s7 =	simm.s32 @!p0 $0x0  }
0xa: {  	[sflag:s5] =	ssyncpa.u1 $0x0;
	p0 =	por $0x0, $0x0;
	s6 =	sadd.s32 s7, s6  }
0xb: {  	[sflag:s8] =	ssyncpa.u1 $0x0;
	s8 =	simm.s32 $0x200000;
	s7 =	sadd.s32 $0x1, s6  }
.LBB1_4:
0xc: {  	s14 =	sshll.u32 s11, $0x3  }
0xd: {  	s15 =	sand.u32 $0x78, s11;
	s14 =	sand.u32 $0x3FC00, s14  }
0xe: {  	[tilespmem:s13+$0x810 ss:$0x81] =	vst.msk $0xffff, v2;
	s29 =	sand.u32 $0x1F8000, s11;
	s30 =	sand.u32 $0x7, s11;
	s14 =	sor.u32 s15, s14  }
0xf: {  	[tilespmem:s13+$0x1020 ss:$0x81] =	vst.msk $0xffff, v0;
	s11 =	sshll.u32 s30, $0x12;
	s15 =	sadd.s32 s2, s29;
	s14 =	sshrl.u32 s14, $0x3  }
0x10: {  	[tilespmem:s13+$0x0 ss:$0x81] =	vst.msk $0xffff, v1;
	s11 =	sor.u32 $0x400, s11;
	s31 =	sadd.s32 s14, s15  }
0x11: {  	[hbm4b:s31+s11] =	stream.strided.scatter [tilespmem:s12], [sflag:$0x2], $0x2000, s8, s11, $0x20;
	[tilespmem:$0x8080] =	vst v63  }
.LBB1_5:
0x12: {  	s13 =	sadd.s32 $0x1000, s9  }
0x13: {  	p2 =	sgt.s32 s13, $0x3FFFF  }
0x14: {  	s13 =	smov.u32 @p2 s3;
	p2 =	sne.s32 s10, s7  }
.Ltmp1:
0x15: {  	p1 =	slt.u32 s10, $0x2;
	(pc) =	sbr.rel @!p2 .LBB1_6-.Ltmp1, $4  }
0x16: {  	s12 =	simm.s32 @!p1 $0x2  }
0x17: {  	s14 =	sadd.s32 $0x1, s10;
	_ =	swait.ge @!p1 [sflag:s12], $0x2000  }
0x18: {  	s11 =	smov.u32 s9;
	p0 =	por !p0, !p0;
	[sflag:s12] =	ssyncset.done @!p1 $0x0  }
0x19: {  	s10 =	smov.u32 s14;
	s9 =	smov.u32 s13;
	[sflag:s12] =	ssyncadd.s32 @!p1 $0xFFFFE000  }
.LBB1_1:
0x1a: {  	p1 =	sge.u32 s10, s6  }
0x1b: {  	s31 =	sadd.s32 $0xFFFFFFFF, s10;
	s12 =	sxor.u32 @!p1 $0xFFFFFFFF, s10;
	s13 =	sshll.u32 @!p1 s9, $0x4  }
0x1c: {  	s14 =	simm.s32 @!p1 $0x40;
	s12 =	sshll.u32 @!p1 s12, $0xD;
	s13 =	sand.u32 @!p1 $0x3FFFF0, s13  }
0x1d: {  	s15 =	simm.s32 @!p1 $0x80;
	s12 =	sand.u32 @!p1 $0x2000, s12;
	s13 =	sadd.s32 @!p1 s4, s13  }
0x1e: {  	[tilespmem:s12], [sflag:$0x1] =	stream.strided.gather @!p1 [hbm4b:s13+s14], $0x2000, s15, s14, $0x38;
	[tilespmem:$0x8080] =	vst v63  }
0x1f: {  	p1 =	sge.u32 s31, s6  }
.Ltmp2:
0x20: {  	_ = 	snop;
	(pc) =	sbr.rel @p1 .LBB1_5-.Ltmp2, $1  }
0x21: {  	_ =	sdelay $0x3  }
0x22: {  	s12 =	simm.s32 $0x1  }
0x23: {  	_ =	swait.ge [sflag:s5], $0x2000;
	s12 =	simm.s32 @!p0 $0x0  }
0x24: {  	[sflag:s5] =	ssyncset.done $0x0;
	s13 =	sshll.u32 s12, $0xD  }
0x25: {  	[sflag:s5] =	ssyncadd.s32 $0xFFFFE000;
	s16 =	sor.u32 $0x20, s13  }
0x26: {  	s12 =	smul.u32 $0x8100, s12;
	v3 =	vld [tilespmem:s16+$0x10]  }
0x27: {  	s30 =	sand.u32 $0x1, s10;
	v2 =	vld [tilespmem:s16+$0xFFFFFFF0]  }
0x28: {  	s13 =	smul.u32 $0x8100, s30;
	s12 =	sshrl.u32 s12, $0x2;
	v0 =	vld [tilespmem:s16+$0x0]  }
0x29: {  	v1 =	vld [tilespmem:s16+$0xFFFFFFE0];
	s14 =	sor.u32 $0x4000, s12  }
0x2a: {  	s31 =	sshrl.u32 s13, $0x2;
	s13 =	sadd.s32 $0x0, s14  }
0x2b: {  	s15 =	simm.s32 $0x4;
	s16 =	sadd.s32 $0x40, s16;
	s12 =	sor.u32 $0x4000, s31;
	[tilespmem:s13+$0x1830 ss:$0x81] =	vst.msk $0xffff, v3  }
.LBB1_3:
0x2c: {  	v3 =	vld [tilespmem:s16+$0x10];
	p1 =	sne.s32 s15, $0x1FC;
	[tilespmem:s13+$0x810 ss:$0x81] =	vst.msk $0xffff, v2;
	s17 =	smov.u32 s15;
	s15 =	sadd.s32 $0x4, s15  }
.Ltmp3:
0x2d: {  	v2 =	vld [tilespmem:s16+$0xFFFFFFF0];
	[tilespmem:s13+$0x1020 ss:$0x81] =	vst.msk $0xffff, v0;
	(pc) =	sbr.rel @p1 .LBB1_3-.Ltmp3, $4  }
0x2e: {  	v0 =	vld [tilespmem:s16+$0x0];
	[tilespmem:s13+$0x0 ss:$0x81] =	vst.msk $0xffff, v1  }
0x2f: {  	s13 =	sshra.s32 s17, $0x2;
	v1 =	vld [tilespmem:s16+$0xFFFFFFE0]  }
0x30: {  	s13 =	sadd.s32 s13, s14  }
0x31: {  	s16 =	sadd.s32 $0x40, s16;
	[tilespmem:s13+$0x1830 ss:$0x81] =	vst.msk $0xffff, v3  }
.Ltmp4:
0x32: {  	_ = 	snop;
	(pc) =	sbr.rel .LBB1_4-.Ltmp4, $1  }
0x33: {  	_ =	sdelay $0x3  }
.LBB1_6:
0x34: {  	_ =	sfence.sel $0x180000  }
0x35: {  	s2 =	simm.s32 $0x1;
	[bflag:$0x0] =	sbarrier.arrive $0xFFFF  }
0x36: {  	s31 =	simm.s32 $0x2;
	[sflag:s2] =	ssyncpa.u1 $0x1  }
0x37: {  	[sflag:s31] =	ssyncpa.u1 $0x1  }
0x38: {  	p0 =	sne.s32 s0, $0x0;
	_ =	strace $0x9000004A  }
0x39: {  	s0 =	sadd.s32 @!p0 $0x100000, s1;
	[bflag:$0x2] =	sbarrier.arrive $0xFFFF  }
0x3a: {  	[sflag:s0] =	ssyncadd.tile.s32 @!p0 $0x1;
	_ =	shalt  }
.Lfunc_end1:
_tile_overlayer_lowered:
.L_overlay_start_2:
0x3b: {  	(tag) =	ssettag $0x2  }
0x3c: {  	s0 =	rddreg [dreg:$0x0];
	s2 =	stileid.u32  }
0x3d: {  	s1 =	rddreg [dreg:$0x1];
	p0 =	sne.s32 s2, $0x0  }
0x3e: {  	s3 =	rddreg [dreg:$0x2];
	[bflag:$0x3] =	sbarrier.arrive $0xFFFF;
	s2 =	simm.s32 @!p0 $0x1C01  }
0x3f: {  	[timem:s3], [sflag:s2] =	dma.local @!p0 [hbm:s0], s1  }
0x40: {  	s0 =	simm.s32 @!p0 $0x1  }
0x41: {  	_ =	swait.ge @!p0 [sflag:s0], s1  }
0x42: {  	s1 =	ssub.s32 @!p0 $0x0, s1;
	[sflag:s0] =	ssyncset.done @!p0 $0x0  }
0x43: {  	[sflag:s0] =	ssyncadd.s32 @!p0 s1  }
0x44: {  	[bflag:$0x3] =	sbarrier.arrive $0xFFFF  }
0x45: {  	_ =	shalt  }

</sc_bundles>
